<compile_context>
chip_gen: v7x
topology: tpu7x:2x2x1
jax: 0.10.2.dev20260603
libtpu: 0.0.44.dev20260713+nightly
codegen_flags: <defaults>
</compile_context>

<pallas_src>
import functools

import jax
import jax.numpy as jnp
from jax import lax
from jax.experimental import pallas as pl
from jax.experimental.pallas import tpu as pltpu
from jax.experimental.pallas import tpu_sc as plsc

_RATIO_MID = 3
_RATIO_LOW = 3


def _select_topk(bits, cand, k, idx):
    i32 = jnp.int32
    n = jnp.sum(cand.astype(i32), axis=1, keepdims=True)
    kk = jnp.minimum(k, n)

    def cnt_ge(v):
        return jnp.sum(((bits >= v) & cand).astype(i32), axis=1, keepdims=True)

    def body_v(b, v):
        t = v | (i32(1) << (30 - b))
        return jnp.where(cnt_ge(t) >= kk, t, v)

    V = lax.fori_loop(0, 31, body_v, jnp.zeros_like(kk))
    above = (bits > V) & cand
    c_gt = jnp.sum(above.astype(i32), axis=1, keepdims=True)
    r = kk - c_gt
    tie = (bits == V) & cand

    def cnt_lt(j):
        return jnp.sum((tie & (idx < j)).astype(i32), axis=1, keepdims=True)

    def body_j(b, jv):
        t = jv | (i32(1) << (14 - b))
        return jnp.where(cnt_lt(t) < r, t, jv)

    J = lax.fori_loop(0, 15, body_j, jnp.zeros_like(kk))
    sel_tie = tie & (idx <= J) & (r > 0)
    return (above | sel_tie) & (kk > 0)


def _cls_body(conf_ref, labm_ref, out_ref, sacc_ref, gacc_ref, *, ncc, cc):
    c = pl.program_id(1)

    @pl.when(c == 0)
    def _init():
        sacc_ref[...] = jnp.zeros_like(sacc_ref)
        gacc_ref[...] = jnp.zeros_like(gacc_ref)

    x = conf_ref[...]
    lab = labm_ref[...]
    sacc_ref[...] += jnp.sum(jnp.exp(x), axis=0)
    cid = lax.broadcasted_iota(jnp.int32, x.shape, 0) + c * cc
    w = jnp.where(cid == lab[None], x, 0.0)
    gacc_ref[:, 0:1] += jnp.sum(jnp.sum(w, axis=0), axis=1, keepdims=True)

    @pl.when(c == ncc - 1)
    def _fin():
        posf = lab >= 0
        lse = jnp.log(sacc_ref[...])
        part = jnp.sum(jnp.where(posf, lse, 0.0), axis=1, keepdims=True)
        lane = lax.broadcasted_iota(jnp.int32, out_ref.shape, 1)
        out_ref[...] = jnp.where(lane == 0, part - gacc_ref[:, 0:1], 0.0)


def _sl1_body(loc_ref, gt_ref, obj_ref, out_ref):
    pos = obj_ref[...] > 0
    sl1_acc = jnp.zeros(pos.shape, jnp.float32)
    for j in range(loc_ref.shape[1]):
        dd = jnp.abs(loc_ref[:, j, :] - gt_ref[:, j, :])
        sl1_acc += jnp.where(dd < 1.0, 0.5 * dd * dd, dd - 0.5)
    sl1_row = jnp.sum(jnp.where(pos, sl1_acc, 0.0), axis=1, keepdims=True)
    lane = lax.broadcasted_iota(jnp.int32, out_ref.shape, 1)
    out_ref[...] = jnp.where(lane == 0, sl1_row, 0.0)


def _row_body(oc_ref, obj_ref, mid_ref, low_ref, out_ref, u_ref, *, p):
    c0 = oc_ref[:, 0, :]
    c1 = oc_ref[:, 1, :]
    d = c1 - c0
    lmap = jnp.maximum(d, 0.0) + jnp.log1p(jnp.exp(-jnp.abs(d)))
    pos = obj_ref[...] > 0
    npos = jnp.sum(pos.astype(jnp.int32), axis=1, keepdims=True)
    obj_pos = jnp.sum(jnp.where(pos, lmap - d, 0.0), axis=1, keepdims=True)

    cand_m = (mid_ref[...] > 0) & jnp.logical_not(pos)
    cand_l = (low_ref[...] > 0) & jnp.logical_not(pos)
    n_m = jnp.sum(cand_m.astype(jnp.int32), axis=1, keepdims=True)
    n_l = jnp.sum(cand_l.astype(jnp.int32), axis=1, keepdims=True)

    u = jnp.where(cand_m | cand_l, lmap, 0.0)
    ppad = u_ref.shape[1]
    if ppad > p:
        u = jnp.concatenate(
            [u, jnp.zeros((u.shape[0], ppad - p), jnp.float32)], axis=1)
    u_ref[...] = u

    lane = lax.broadcasted_iota(jnp.int32, out_ref.shape, 1)
    out_ref[...] = (jnp.where(lane == 0, npos.astype(jnp.float32), 0.0)
                    + jnp.where(lane == 1, obj_pos, 0.0)
                    + jnp.where(lane == 2, n_m.astype(jnp.float32), 0.0)
                    + jnp.where(lane == 3, n_l.astype(jnp.float32), 0.0))


def _row_slow_body(oc_ref, obj_ref, mid_ref, low_ref, out_ref):
    c0 = oc_ref[:, 0, :]
    c1 = oc_ref[:, 1, :]
    d = c1 - c0
    lmap = jnp.maximum(d, 0.0) + jnp.log1p(jnp.exp(-jnp.abs(d)))
    pos = obj_ref[...] > 0
    npos = jnp.sum(pos.astype(jnp.int32), axis=1, keepdims=True)
    cand_m = (mid_ref[...] > 0) & jnp.logical_not(pos)
    cand_l = (low_ref[...] > 0) & jnp.logical_not(pos)
    bits = lax.bitcast_convert_type(lmap, jnp.int32)
    idx = lax.broadcasted_iota(jnp.int32, lmap.shape, 1)
    sel_m = _select_topk(bits, cand_m, npos * _RATIO_MID, idx)
    sel_l = _select_topk(bits, cand_l, npos * _RATIO_LOW, idx)
    neg = jnp.sum(jnp.where(sel_m | sel_l, lmap, 0.0), axis=1, keepdims=True)
    lane = lax.broadcasted_iota(jnp.int32, out_ref.shape, 1)
    out_ref[...] = jnp.where(lane == 0, neg, 0.0)


def kernel(object_conf, confidence, locations, objects, objects_mid,
           objects_low, labels, gt_locations):
    B, P, C = confidence.shape
    f32 = jnp.float32
    RB = 8

    conf_t = confidence.transpose(2, 0, 1)
    oc_t = object_conf.transpose(0, 2, 1)
    loc_t = locations.transpose(0, 2, 1)
    gt_t = gt_locations.transpose(0, 2, 1)
    labm = jnp.where(objects > 0, labels, -1)

    cc = next(c for c in range(min(C, max(1, (3 * 2 ** 21) // (RB * P * 4))), 0, -1)
              if C % c == 0)
    ncc = C // cc


    ppad = ((P + 127) // 128) * 128
    row_stats, u_map = pl.pallas_call(
        functools.partial(_row_body, p=P),
        grid=(B // RB,),
        in_specs=[
            pl.BlockSpec((RB, 2, P), lambda i: (i, 0, 0)),
            pl.BlockSpec((RB, P), lambda i: (i, 0)),
            pl.BlockSpec((RB, P), lambda i: (i, 0)),
            pl.BlockSpec((RB, P), lambda i: (i, 0)),
        ],
        out_specs=[pl.BlockSpec((RB, 128), lambda i: (i, 0)),
                   pl.BlockSpec((RB, ppad), lambda i: (i, 0))],
        out_shape=[jax.ShapeDtypeStruct((B, 128), f32),
                   jax.ShapeDtypeStruct((B, ppad), f32)],
        compiler_params=pltpu.CompilerParams(
            dimension_semantics=("parallel",)),
    )(oc_t, objects, objects_mid, objects_low)

    info = plsc.get_sparse_core_info()
    nw = info.num_cores * info.num_subcores
    chunk = (B * ppad) // nw
    u_flat = u_map.reshape(nw, chunk)

    @functools.partial(
        pl.kernel,
        mesh=plsc.VectorSubcoreMesh(core_axis_name="c", subcore_axis_name="s"),
        out_type=jax.ShapeDtypeStruct((nw, 16), f32),
        scratch_types=[pltpu.VMEM((chunk,), f32), pltpu.VMEM((16,), f32)],
    )
    def _sc_negsum(u_hbm, out_hbm, buf, obuf):
        wid = lax.axis_index("s") * info.num_cores + lax.axis_index("c")
        pltpu.sync_copy(u_hbm.at[wid], buf)

        def body(i, acc):
            return acc + buf[pl.ds(i * 16, 16)]

        obuf[...] = lax.fori_loop(0, chunk // 16, body,
                                  jnp.zeros((16,), f32))
        pltpu.sync_copy(obuf, out_hbm.at[wid])

    neg_partials = _sc_negsum(u_flat)

    npos_row = row_stats[:, 0]
    saturated = jnp.all(
        (row_stats[:, 2] <= _RATIO_MID * npos_row)
        & (row_stats[:, 3] <= _RATIO_LOW * npos_row))

    def _neg_fast():
        return jnp.sum(neg_partials)

    def _neg_exact():
        rs = pl.pallas_call(
            _row_slow_body,
            grid=(B // RB,),
            in_specs=[
                pl.BlockSpec((RB, 2, P), lambda i: (i, 0, 0)),
                pl.BlockSpec((RB, P), lambda i: (i, 0)),
                pl.BlockSpec((RB, P), lambda i: (i, 0)),
                pl.BlockSpec((RB, P), lambda i: (i, 0)),
            ],
            out_specs=pl.BlockSpec((RB, 128), lambda i: (i, 0)),
            out_shape=jax.ShapeDtypeStruct((B, 128), f32),
            compiler_params=pltpu.CompilerParams(
                dimension_semantics=("arbitrary",)),
        )(oc_t, objects, objects_mid, objects_low)
        return jnp.sum(rs[:, 0])

    neg_total = lax.cond(saturated, _neg_fast, _neg_exact)

    cls_stats = pl.pallas_call(
        functools.partial(_cls_body, ncc=ncc, cc=cc),
        grid=(B // RB, ncc),
        in_specs=[
            pl.BlockSpec((cc, RB, P), lambda i, c: (c, i, 0)),
            pl.BlockSpec((RB, P), lambda i, c: (i, 0)),
        ],
        out_specs=pl.BlockSpec((RB, 128), lambda i, c: (i, 0)),
        out_shape=jax.ShapeDtypeStruct((B, 128), f32),
        scratch_shapes=[pltpu.VMEM((RB, P), f32), pltpu.VMEM((RB, 128), f32)],
        compiler_params=pltpu.CompilerParams(
            dimension_semantics=("parallel", "arbitrary")),
    )(conf_t, labm)

    sl1_stats = pl.pallas_call(
        _sl1_body,
        grid=(B // RB,),
        in_specs=[
            pl.BlockSpec((RB, 4, P), lambda i: (i, 0, 0)),
            pl.BlockSpec((RB, 4, P), lambda i: (i, 0, 0)),
            pl.BlockSpec((RB, P), lambda i: (i, 0)),
        ],
        out_specs=pl.BlockSpec((RB, 128), lambda i: (i, 0)),
        out_shape=jax.ShapeDtypeStruct((B, 128), f32),
        compiler_params=pltpu.CompilerParams(
            dimension_semantics=("parallel",)),
    )(loc_t, gt_t, objects)

    denom = jnp.sum(npos_row) + 1e-6
    obj_loss = (jnp.sum(row_stats[:, 1]) + neg_total) / denom
    cls_loss = jnp.sum(cls_stats[:, 0]) / denom
    sl1_loss = jnp.sum(sl1_stats[:, 0]) / denom
    return sl1_loss, cls_loss, obj_loss

# --- scband reference (transcript-rebuilt; emitter-appended) ---
"""Pipeline reference for scband-multibox-loss-x-42374147342951 (READ-ONLY COPY).

The authoritative reference and input builder live on the scoring server;
editing this copy changes nothing except your own understanding.
"""

import jax, jax.numpy as jnp
import numpy as np

NEG_POS_RATIO_MID = 3
NEG_POS_RATIO_LOW = 3


def hard_negative_mining_x(loss, objects, objects_mid, objects_low, ratio_mid, ratio_low):
    # loss: (B, P) objectness background loss; objects: (B, P) in {0,1}
    pos_mask = objects > 0
    num_pos = pos_mask.sum(axis=1, keepdims=True)

    def mine(region_mask, ratio):
        num_neg = num_pos * ratio
        # only consider negatives inside this region
        l = jnp.where(pos_mask | (~region_mask), -jnp.inf, loss)
        order = jnp.argsort(-l, axis=1)           # descending
        rank = jnp.argsort(order, axis=1)
        return (rank < num_neg) & jnp.isfinite(l)

    neg_mid = mine(objects_mid > 0, ratio_mid)
    neg_low = mine(objects_low > 0, ratio_low)
    return pos_mask | neg_mid | neg_low


def setup_inputs(seed: int = 0) -> dict:
    key = jax.random.key(seed)
    ks = jax.random.split(key, 8)
    B, P, C = 32, 20000, 81
    return {
        "object_conf": jax.random.normal(ks[0], (B, P, 2), dtype=jnp.float32),
        "confidence": jax.random.normal(ks[1], (B, P, C), dtype=jnp.float32),
        "locations": jax.random.normal(ks[2], (B, P, 4), dtype=jnp.float32),
        "objects": jax.random.randint(ks[3], (B, P), 0, 2, dtype=jnp.int32),
        "objects_mid": jax.random.randint(ks[4], (B, P), 0, 2, dtype=jnp.int32),
        "objects_low": jax.random.randint(ks[5], (B, P), 0, 2, dtype=jnp.int32),
        "labels": jax.random.randint(ks[6], (B, P), 0, C, dtype=jnp.int32),
        "gt_locations": jax.random.normal(ks[7], (B, P, 4), dtype=jnp.float32),
    }


def reference(object_conf, confidence, locations, objects, objects_mid, objects_low, labels, gt_locations):
    num_classes = confidence.shape[2]
    # hard negative mining on objectness background loss (no grad)
    obj_conf_nll = -jax.nn.log_softmax(object_conf, axis=2)
    obj_loss_map = obj_conf_nll[:, :, 0]
    obj_mask = jax.lax.stop_gradient(
        hard_negative_mining_x(obj_loss_map, objects, objects_mid, objects_low,
                               NEG_POS_RATIO_MID, NEG_POS_RATIO_LOW))

    # objectness cross entropy (sum over mined priors); targets in {0,1}
    logp_obj = jax.nn.log_softmax(object_conf, axis=2)
    ce_obj = -jnp.take_along_axis(logp_obj, objects[..., None], axis=2)[..., 0]
    obj_loss = jnp.sum(jnp.where(obj_mask, ce_obj, 0.0))

    # class cross entropy over positive priors (sum reduction)
    pos_mask = objects > 0
    logp_cls = jax.nn.log_softmax(confidence, axis=2)
    ce_cls = -jnp.take_along_axis(logp_cls, labels[..., None], axis=2)[..., 0]
    classification_loss = jnp.sum(jnp.where(pos_mask, ce_cls, 0.0))

    # smooth L1 over positive priors (sum reduction)
    diff = jnp.abs(locations - gt_locations)
    sl1 = jnp.where(diff < 1.0, 0.5 * diff * diff, diff - 0.5)
    smooth_l1_loss = jnp.sum(jnp.where(pos_mask[..., None], sl1, 0.0))

    num_pos = pos_mask.sum().astype(jnp.float32) + 1e-06
    return (smooth_l1_loss / num_pos, classification_loss / num_pos, obj_loss / num_pos)

if __name__ == "__main__":
    import jax
    _d = setup_inputs()
    print(jax.jit(kernel)(*tuple(_d.values())))

</pallas_src>

<mosaic_0001>
#map = affine_map<(d0, d1) -> (0, 0)>
module attributes {stable_mosaic.version = 14 : i64} {
  func.func @_sc_negsum(%arg0: i32, %arg1: i32, %arg2: memref<32x20096xf32, #tpu.memory_space<hbm>>, %arg3: memref<32x16xf32, #tpu.memory_space<hbm>>, %arg4: memref<20096xf32, #tpu.memory_space<vmem>>, %arg5: memref<16xf32, #tpu.memory_space<vmem>>) attributes {dimension_semantics = [#tpu.dimension_semantics<core_parallel>, #tpu.dimension_semantics<subcore_parallel>], iteration_bounds = array<i64: 2, 16>, scalar_prefetch = 0 : i64, scratch_operands = 2 : i64, tpu.core_type = #tpu.core_type<sc_vector_subcore>, window_params = [{transform_indices = #map}, {transform_indices = #map}]} {
    %mul3A = arith.constant 2 : i32
    %mul3A_0 = arith.muli %arg1, %mul3A : i32
    %add3A = arith.addi %mul3A_0, %arg0 : i32
    "tpu.region"() ({
      %run_scoped3A = tpu.sem_alloc : memref<!tpu.dma_semaphore, #tpu.memory_space<semaphore_mem>>
      %dma_start3A = arith.constant 0 : i32
      %dma_start3A_10 = tpu.memref_slice %arg2[%add3A, %dma_start3A] : memref<32x20096xf32, #tpu.memory_space<hbm>> -> memref<1x20096xf32, #tpu.memory_space<hbm>>
      %dma_start3A_11 = tpu.memref_squeeze %dma_start3A_10 : memref<1x20096xf32, #tpu.memory_space<hbm>> -> memref<20096xf32, #tpu.memory_space<hbm>>
      %dma_start3A_12 = arith.constant 0 : i32
      %dma_start3A_13 = tpu.memref_slice %arg2[%add3A, %dma_start3A_12] : memref<32x20096xf32, #tpu.memory_space<hbm>> -> memref<1x20096xf32, #tpu.memory_space<hbm>>
      %dma_start3A_14 = tpu.memref_squeeze %dma_start3A_13 : memref<1x20096xf32, #tpu.memory_space<hbm>> -> memref<20096xf32, #tpu.memory_space<hbm>>
      tpu.enqueue_dma source(%dma_start3A_14 : memref<20096xf32, #tpu.memory_space<hbm>>) target(%arg4 : memref<20096xf32, #tpu.memory_space<vmem>>) target_semaphore(%run_scoped3A : memref<!tpu.dma_semaphore, #tpu.memory_space<semaphore_mem>>)
      %dma_wait3A = arith.constant 0 : i32
      %dma_wait3A_15 = tpu.memref_slice %arg2[%add3A, %dma_wait3A] : memref<32x20096xf32, #tpu.memory_space<hbm>> -> memref<1x20096xf32, #tpu.memory_space<hbm>>
      %dma_wait3A_16 = tpu.memref_squeeze %dma_wait3A_15 : memref<1x20096xf32, #tpu.memory_space<hbm>> -> memref<20096xf32, #tpu.memory_space<hbm>>
      %dma_wait3A_17 = arith.constant 0 : i32
      %dma_wait3A_18 = tpu.memref_slice %arg2[%add3A, %dma_wait3A_17] : memref<32x20096xf32, #tpu.memory_space<hbm>> -> memref<1x20096xf32, #tpu.memory_space<hbm>>
      %dma_wait3A_19 = tpu.memref_squeeze %dma_wait3A_18 : memref<1x20096xf32, #tpu.memory_space<hbm>> -> memref<20096xf32, #tpu.memory_space<hbm>>
      tpu.wait_dma2 semaphore(%run_scoped3A : memref<!tpu.dma_semaphore, #tpu.memory_space<semaphore_mem>>) src(%dma_wait3A_19 : memref<20096xf32, #tpu.memory_space<hbm>>) dst(%arg4 : memref<20096xf32, #tpu.memory_space<vmem>>)
      tpu.yield
    }) : () -> ()
    %broadcast_in_dim3A = arith.constant 0.000000e+00 : f32
    %broadcast_in_dim3A_1 = vector.broadcast %broadcast_in_dim3A : f32 to vector<16xf32>
    %scan3A = arith.constant 0 : i32
    %scan3A_2 = arith.constant 1256 : i32
    %scan3A_3 = arith.addi %scan3A, %scan3A_2 : i32
    %scan3A_4 = arith.constant 1 : i32
    %scan3A_5 = scf.for %scan3A_10 = %scan3A to %scan3A_3 step %scan3A_4 iter_args(%scan3A_11 = %broadcast_in_dim3A_1) -> (vector<16xf32>)  : i32 {
      %mul3A_12 = arith.constant 16 : i32
      %mul3A_13 = arith.muli %scan3A_10, %mul3A_12 : i32
      %get3A = arith.index_cast %mul3A_13 : i32 to index
      %get3A_14 = tpu.vector_load %arg4[%get3A] {strides = array<i32>} : memref<20096xf32, #tpu.memory_space<vmem>>, vector<16xf32>,
      %get3A_15 = vector.shape_cast %get3A_14 : vector<16xf32> to vector<16xf32>
      %add3A_16 = arith.addf %scan3A_11, %get3A_15 : vector<16xf32>
      scf.yield %add3A_16 : vector<16xf32>
    }
    %scan3A_6 = arith.constant 1256 : i32
    %swap3A = arith.constant 0 : index
    %swap3A_7 = tpu.vector_load %arg5[%swap3A] {strides = array<i32>} : memref<16xf32, #tpu.memory_space<vmem>>, vector<16xf32>,
    %swap3A_8 = vector.shape_cast %swap3A_7 : vector<16xf32> to vector<16xf32>
    %swap3A_9 = vector.shape_cast %scan3A_5 : vector<16xf32> to vector<16xf32>
    tpu.vector_store %arg5[%swap3A], %swap3A_9 {strides = array<i32>} : memref<16xf32, #tpu.memory_space<vmem>>, vector<16xf32>,
    "tpu.region"() ({
      %run_scoped3A = tpu.sem_alloc : memref<!tpu.dma_semaphore, #tpu.memory_space<semaphore_mem>>
      %dma_start3A = arith.constant 0 : i32
      %dma_start3A_10 = tpu.memref_slice %arg3[%add3A, %dma_start3A] : memref<32x16xf32, #tpu.memory_space<hbm>> -> memref<1x16xf32, #tpu.memory_space<hbm>>
      %dma_start3A_11 = tpu.memref_squeeze %dma_start3A_10 : memref<1x16xf32, #tpu.memory_space<hbm>> -> memref<16xf32, #tpu.memory_space<hbm>>
      %dma_start3A_12 = arith.constant 0 : i32
      %dma_start3A_13 = tpu.memref_slice %arg3[%add3A, %dma_start3A_12] : memref<32x16xf32, #tpu.memory_space<hbm>> -> memref<1x16xf32, #tpu.memory_space<hbm>>
      %dma_start3A_14 = tpu.memref_squeeze %dma_start3A_13 : memref<1x16xf32, #tpu.memory_space<hbm>> -> memref<16xf32, #tpu.memory_space<hbm>>
      tpu.enqueue_dma source(%arg5 : memref<16xf32, #tpu.memory_space<vmem>>) target(%dma_start3A_14 : memref<16xf32, #tpu.memory_space<hbm>>) target_semaphore(%run_scoped3A : memref<!tpu.dma_semaphore, #tpu.memory_space<semaphore_mem>>)
      %dma_wait3A = arith.constant 0 : i32
      %dma_wait3A_15 = tpu.memref_slice %arg3[%add3A, %dma_wait3A] : memref<32x16xf32, #tpu.memory_space<hbm>> -> memref<1x16xf32, #tpu.memory_space<hbm>>
      %dma_wait3A_16 = tpu.memref_squeeze %dma_wait3A_15 : memref<1x16xf32, #tpu.memory_space<hbm>> -> memref<16xf32, #tpu.memory_space<hbm>>
      %dma_wait3A_17 = arith.constant 0 : i32
      %dma_wait3A_18 = tpu.memref_slice %arg3[%add3A, %dma_wait3A_17] : memref<32x16xf32, #tpu.memory_space<hbm>> -> memref<1x16xf32, #tpu.memory_space<hbm>>
      %dma_wait3A_19 = tpu.memref_squeeze %dma_wait3A_18 : memref<1x16xf32, #tpu.memory_space<hbm>> -> memref<16xf32, #tpu.memory_space<hbm>>
      tpu.wait_dma2 semaphore(%run_scoped3A : memref<!tpu.dma_semaphore, #tpu.memory_space<semaphore_mem>>) src(%arg5 : memref<16xf32, #tpu.memory_space<vmem>>) dst(%dma_wait3A_19 : memref<16xf32, #tpu.memory_space<hbm>>)
      tpu.yield
    }) : () -> ()
    return
  }
}

module attributes {stable_mosaic.version = 14 : i64} {
  func.func @_row_body(%arg0: i32, %arg1: memref<8x2x20000xf32, #tpu.memory_space<vmem>>, %arg2: memref<8x20000xi32, #tpu.memory_space<vmem>>, %arg3: memref<8x20000xi32, #tpu.memory_space<vmem>>, %arg4: memref<8x20000xi32, #tpu.memory_space<vmem>>, %arg5: memref<8x128xf32, #tpu.memory_space<vmem>>, %arg6: memref<8x20096xf32, #tpu.memory_space<vmem>>) attributes {dimension_semantics = [#tpu.dimension_semantics<parallel>], iteration_bounds = array<i64: 4>, scalar_prefetch = 0 : i64, scratch_operands = 0 : i64, tpu.core_type = #tpu.core_type<tc>, window_params = [{transform_indices = @transform_0, window_bounds = array<i64: 8, 2, 20000>}, {transform_indices = @transform_1, window_bounds = array<i64: 8, 20000>}, {transform_indices = @transform_2, window_bounds = array<i64: 8, 20000>}, {transform_indices = @transform_3, window_bounds = array<i64: 8, 20000>}, {transform_indices = @transform_4, window_bounds = array<i64: 8, 128>}, {transform_indices = @transform_5, window_bounds = array<i64: 8, 20096>}]} {
    %get3A = arith.constant 0 : index
    %get3A_0 = arith.constant 0 : index
    %get3A_1 = arith.constant 0 : index
    %get3A_2 = vector.load %arg1[%get3A, %get3A_0, %get3A_1] : memref<8x2x20000xf32, #tpu.memory_space<vmem>>, vector<8x1x20000xf32>
    %get3A_3 = vector.shape_cast %get3A_2 : vector<8x1x20000xf32> to vector<8x20000xf32>
    %get3A_4 = arith.constant 0 : index
    %get3A_5 = arith.constant 1 : index
    %get3A_6 = arith.constant 0 : index
    %get3A_7 = vector.load %arg1[%get3A_4, %get3A_5, %get3A_6] : memref<8x2x20000xf32, #tpu.memory_space<vmem>>, vector<8x1x20000xf32>
    %get3A_8 = vector.shape_cast %get3A_7 : vector<8x1x20000xf32> to vector<8x20000xf32>
    %sub3A = arith.subf %get3A_8, %get3A_3 : vector<8x20000xf32>
    %max3A = arith.constant 0.000000e+00 : f32
    %max3A_9 = vector.broadcast %max3A : f32 to vector<8x20000xf32>
    %max3A_10 = arith.maximumf %sub3A, %max3A_9 : vector<8x20000xf32>
    %abs3A = math.absf %sub3A : vector<8x20000xf32>
    %neg3A = arith.constant 0.000000e+00 : f32
    %neg3A_11 = vector.broadcast %neg3A : f32 to vector<8x20000xf32>
    %neg3A_12 = arith.subf %neg3A_11, %abs3A : vector<8x20000xf32>
    %exp3A = math.exp %neg3A_12 : vector<8x20000xf32>
    %log1p3A = math.log1p %exp3A : vector<8x20000xf32>
    %add3A = arith.addf %max3A_10, %log1p3A : vector<8x20000xf32>
    %get3A_13 = arith.constant 0 : index
    %get3A_14 = arith.constant 0 : index
    %get3A_15 = vector.load %arg2[%get3A_13, %get3A_14] : memref<8x20000xi32, #tpu.memory_space<vmem>>, vector<8x20000xi32>
    %gt3A = arith.constant 0 : i32
    %gt3A_16 = vector.broadcast %gt3A : i32 to vector<8x20000xi32>
    %gt3A_17 = arith.cmpi sgt, %get3A_15, %gt3A_16 : vector<8x20000xi32>
    %convert_element_type3A = arith.extui %gt3A_17 : vector<8x20000xi1> to vector<8x20000xi32>
    %reduce_sum3A = arith.constant dense<0> : vector<8xi32>
    %reduce_sum3A_18 = vector.multi_reduction <add>, %convert_element_type3A, %reduce_sum3A [1] : vector<8x20000xi32> to vector<8xi32>
    %broadcast_in_dim3A = vector.shape_cast %reduce_sum3A_18 : vector<8xi32> to vector<8x1xi32>
    %sub3A_19 = arith.subf %add3A, %sub3A : vector<8x20000xf32>
    %jit3A = arith.constant 0.000000e+00 : f32
    %broadcast_in_dim3A_20 = vector.broadcast %jit3A : f32 to vector<8x20000xf32>
    %select_n3A = arith.select %gt3A_17, %sub3A_19, %broadcast_in_dim3A_20 : vector<8x20000xi1>, vector<8x20000xf32>
    %reduce_sum3A_21 = arith.constant dense<0.000000e+00> : vector<8xf32>
    %reduce_sum3A_22 = vector.multi_reduction <add>, %select_n3A, %reduce_sum3A_21 [1] : vector<8x20000xf32> to vector<8xf32>
    %broadcast_in_dim3A_23 = vector.shape_cast %reduce_sum3A_22 : vector<8xf32> to vector<8x1xf32>
    %get3A_24 = arith.constant 0 : index
    %get3A_25 = arith.constant 0 : index
    %get3A_26 = vector.load %arg3[%get3A_24, %get3A_25] : memref<8x20000xi32, #tpu.memory_space<vmem>>, vector<8x20000xi32>
    %gt3A_27 = arith.constant 0 : i32
    %gt3A_28 = vector.broadcast %gt3A_27 : i32 to vector<8x20000xi32>
    %gt3A_29 = arith.cmpi sgt, %get3A_26, %gt3A_28 : vector<8x20000xi32>
    %not3A = arith.constant dense<true> : vector<8x20000xi1>
    %not3A_30 = arith.xori %gt3A_17, %not3A : vector<8x20000xi1>
    %and3A = arith.andi %gt3A_29, %not3A_30 : vector<8x20000xi1>
    %get3A_31 = arith.constant 0 : index
    %get3A_32 = arith.constant 0 : index
    %get3A_33 = vector.load %arg4[%get3A_31, %get3A_32] : memref<8x20000xi32, #tpu.memory_space<vmem>>, vector<8x20000xi32>
    %gt3A_34 = arith.constant 0 : i32
    %gt3A_35 = vector.broadcast %gt3A_34 : i32 to vector<8x20000xi32>
    %gt3A_36 = arith.cmpi sgt, %get3A_33, %gt3A_35 : vector<8x20000xi32>
    %not3A_37 = arith.constant dense<true> : vector<8x20000xi1>
    %not3A_38 = arith.xori %gt3A_17, %not3A_37 : vector<8x20000xi1>
    %and3A_39 = arith.andi %gt3A_36, %not3A_38 : vector<8x20000xi1>
    %convert_element_type3A_40 = arith.extui %and3A : vector<8x20000xi1> to vector<8x20000xi32>
    %reduce_sum3A_41 = arith.constant dense<0> : vector<8xi32>
    %reduce_sum3A_42 = vector.multi_reduction <add>, %convert_element_type3A_40, %reduce_sum3A_41 [1] : vector<8x20000xi32> to vector<8xi32>
    %broadcast_in_dim3A_43 = vector.shape_cast %reduce_sum3A_42 : vector<8xi32> to vector<8x1xi32>
    %convert_element_type3A_44 = arith.extui %and3A_39 : vector<8x20000xi1> to vector<8x20000xi32>
    %reduce_sum3A_45 = arith.constant dense<0> : vector<8xi32>
    %reduce_sum3A_46 = vector.multi_reduction <add>, %convert_element_type3A_44, %reduce_sum3A_45 [1] : vector<8x20000xi32> to vector<8xi32>
    %broadcast_in_dim3A_47 = vector.shape_cast %reduce_sum3A_46 : vector<8xi32> to vector<8x1xi32>
    %or3A = arith.ori %and3A, %and3A_39 : vector<8x20000xi1>
    %jit3A_48 = arith.constant 0.000000e+00 : f32
    %broadcast_in_dim3A_49 = vector.broadcast %jit3A_48 : f32 to vector<8x20000xf32>
    %select_n3A_50 = arith.select %or3A, %add3A, %broadcast_in_dim3A_49 : vector<8x20000xi1>, vector<8x20000xf32>
    %broadcast_in_dim3A_51 = arith.constant 0.000000e+00 : f32
    %broadcast_in_dim3A_52 = vector.broadcast %broadcast_in_dim3A_51 : f32 to vector<8x96xf32>
    %concatenate3A = tpu.concatenate %select_n3A_50, %broadcast_in_dim3A_52 in 1 : vector<8x20000xf32>, vector<8x96xf32> -> vector<8x20096xf32>
    %swap3A = arith.constant 0 : index
    %swap3A_53 = arith.constant 0 : index
    %swap3A_54 = vector.load %arg6[%swap3A, %swap3A_53] : memref<8x20096xf32, #tpu.memory_space<vmem>>, vector<8x20096xf32>
    tpu.vector_store %arg6[%swap3A, %swap3A_53], %concatenate3A {strides = array<i32>} : memref<8x20096xf32, #tpu.memory_space<vmem>>, vector<8x20096xf32>,
    %iota3A = tpu.iota {dimensions = array<i32: 1>} : vector<8x128xi32>
    %eq3A = arith.constant 0 : i32
    %eq3A_55 = vector.broadcast %eq3A : i32 to vector<8x128xi32>
    %eq3A_56 = arith.cmpi eq, %iota3A, %eq3A_55 : vector<8x128xi32>
    %convert_element_type3A_57 = arith.sitofp %broadcast_in_dim3A : vector<8x1xi32> to vector<8x1xf32>
    %jit3A_58 = arith.constant 0.000000e+00 : f32
    %broadcast_in_dim3A_59 = vector.shape_cast %convert_element_type3A_57 : vector<8x1xf32> to vector<8x1xf32>
    %broadcast_in_dim3A_60 = vector.broadcast %broadcast_in_dim3A_59 : vector<8x1xf32> to vector<8x128xf32>
    %broadcast_in_dim3A_61 = vector.broadcast %jit3A_58 : f32 to vector<8x128xf32>
    %select_n3A_62 = arith.select %eq3A_56, %broadcast_in_dim3A_60, %broadcast_in_dim3A_61 : vector<8x128xi1>, vector<8x128xf32>
    %eq3A_63 = arith.constant 1 : i32
    %eq3A_64 = vector.broadcast %eq3A_63 : i32 to vector<8x128xi32>
    %eq3A_65 = arith.cmpi eq, %iota3A, %eq3A_64 : vector<8x128xi32>
    %jit3A_66 = arith.constant 0.000000e+00 : f32
    %broadcast_in_dim3A_67 = vector.shape_cast %broadcast_in_dim3A_23 : vector<8x1xf32> to vector<8x1xf32>
    %broadcast_in_dim3A_68 = vector.broadcast %broadcast_in_dim3A_67 : vector<8x1xf32> to vector<8x128xf32>
    %broadcast_in_dim3A_69 = vector.broadcast %jit3A_66 : f32 to vector<8x128xf32>
    %select_n3A_70 = arith.select %eq3A_65, %broadcast_in_dim3A_68, %broadcast_in_dim3A_69 : vector<8x128xi1>, vector<8x128xf32>
    %add3A_71 = arith.addf %select_n3A_62, %select_n3A_70 : vector<8x128xf32>
    %eq3A_72 = arith.constant 2 : i32
    %eq3A_73 = vector.broadcast %eq3A_72 : i32 to vector<8x128xi32>
    %eq3A_74 = arith.cmpi eq, %iota3A, %eq3A_73 : vector<8x128xi32>
    %convert_element_type3A_75 = arith.sitofp %broadcast_in_dim3A_43 : vector<8x1xi32> to vector<8x1xf32>
    %jit3A_76 = arith.constant 0.000000e+00 : f32
    %broadcast_in_dim3A_77 = vector.shape_cast %convert_element_type3A_75 : vector<8x1xf32> to vector<8x1xf32>
    %broadcast_in_dim3A_78 = vector.broadcast %broadcast_in_dim3A_77 : vector<8x1xf32> to vector<8x128xf32>
    %broadcast_in_dim3A_79 = vector.broadcast %jit3A_76 : f32 to vector<8x128xf32>
    %select_n3A_80 = arith.select %eq3A_74, %broadcast_in_dim3A_78, %broadcast_in_dim3A_79 : vector<8x128xi1>, vector<8x128xf32>
    %add3A_81 = arith.addf %add3A_71, %select_n3A_80 : vector<8x128xf32>
    %eq3A_82 = arith.constant 3 : i32
    %eq3A_83 = vector.broadcast %eq3A_82 : i32 to vector<8x128xi32>
    %eq3A_84 = arith.cmpi eq, %iota3A, %eq3A_83 : vector<8x128xi32>
    %convert_element_type3A_85 = arith.sitofp %broadcast_in_dim3A_47 : vector<8x1xi32> to vector<8x1xf32>
    %jit3A_86 = arith.constant 0.000000e+00 : f32
    %broadcast_in_dim3A_87 = vector.shape_cast %convert_element_type3A_85 : vector<8x1xf32> to vector<8x1xf32>
    %broadcast_in_dim3A_88 = vector.broadcast %broadcast_in_dim3A_87 : vector<8x1xf32> to vector<8x128xf32>
    %broadcast_in_dim3A_89 = vector.broadcast %jit3A_86 : f32 to vector<8x128xf32>
    %select_n3A_90 = arith.select %eq3A_84, %broadcast_in_dim3A_88, %broadcast_in_dim3A_89 : vector<8x128xi1>, vector<8x128xf32>
    %add3A_91 = arith.addf %add3A_81, %select_n3A_90 : vector<8x128xf32>
    %swap3A_92 = arith.constant 0 : index
    %swap3A_93 = arith.constant 0 : index
    %swap3A_94 = vector.load %arg5[%swap3A_92, %swap3A_93] : memref<8x128xf32, #tpu.memory_space<vmem>>, vector<8x128xf32>
    tpu.vector_store %arg5[%swap3A_92, %swap3A_93], %add3A_91 {strides = array<i32>} : memref<8x128xf32, #tpu.memory_space<vmem>>, vector<8x128xf32>,
    return
  }
  func.func @transform_0(%arg0: i32) -> (i32, i32, i32) {
    %c0_i32 = arith.constant 0 : i32
    %c0_i32_0 = arith.constant 0 : i32
    %c0_i32_1 = arith.constant 0 : i32
    return %arg0, %c0_i32, %c0_i32_0 : i32, i32, i32
  }
  func.func @transform_1(%arg0: i32) -> (i32, i32) {
    %c0_i32 = arith.constant 0 : i32
    %c0_i32_0 = arith.constant 0 : i32
    return %arg0, %c0_i32 : i32, i32
  }
  func.func @transform_2(%arg0: i32) -> (i32, i32) {
    %c0_i32 = arith.constant 0 : i32
    %c0_i32_0 = arith.constant 0 : i32
    return %arg0, %c0_i32 : i32, i32
  }
  func.func @transform_3(%arg0: i32) -> (i32, i32) {
    %c0_i32 = arith.constant 0 : i32
    %c0_i32_0 = arith.constant 0 : i32
    return %arg0, %c0_i32 : i32, i32
  }
  func.func @transform_4(%arg0: i32) -> (i32, i32) {
    %c0_i32 = arith.constant 0 : i32
    %c0_i32_0 = arith.constant 0 : i32
    return %arg0, %c0_i32 : i32, i32
  }
  func.func @transform_5(%arg0: i32) -> (i32, i32) {
    %c0_i32 = arith.constant 0 : i32
    %c0_i32_0 = arith.constant 0 : i32
    return %arg0, %c0_i32 : i32, i32
  }
}

module attributes {stable_mosaic.version = 14 : i64} {
  func.func @_sl1_body(%arg0: i32, %arg1: memref<8x4x20000xf32, #tpu.memory_space<vmem>>, %arg2: memref<8x4x20000xf32, #tpu.memory_space<vmem>>, %arg3: memref<8x20000xi32, #tpu.memory_space<vmem>>, %arg4: memref<8x128xf32, #tpu.memory_space<vmem>>) attributes {dimension_semantics = [#tpu.dimension_semantics<parallel>], iteration_bounds = array<i64: 4>, scalar_prefetch = 0 : i64, scratch_operands = 0 : i64, tpu.core_type = #tpu.core_type<tc>, window_params = [{transform_indices = @transform_0, window_bounds = array<i64: 8, 4, 20000>}, {transform_indices = @transform_1, window_bounds = array<i64: 8, 4, 20000>}, {transform_indices = @transform_2, window_bounds = array<i64: 8, 20000>}, {transform_indices = @transform_3, window_bounds = array<i64: 8, 128>}]} {
    %get3A = arith.constant 0 : index
    %get3A_0 = arith.constant 0 : index
    %get3A_1 = vector.load %arg3[%get3A, %get3A_0] : memref<8x20000xi32, #tpu.memory_space<vmem>>, vector<8x20000xi32>
    %gt3A = arith.constant 0 : i32
    %gt3A_2 = vector.broadcast %gt3A : i32 to vector<8x20000xi32>
    %gt3A_3 = arith.cmpi sgt, %get3A_1, %gt3A_2 : vector<8x20000xi32>
    %broadcast_in_dim3A = arith.constant 0.000000e+00 : f32
    %broadcast_in_dim3A_4 = vector.broadcast %broadcast_in_dim3A : f32 to vector<8x20000xf32>
    %get3A_5 = arith.constant 0 : index
    %get3A_6 = arith.constant 0 : index
    %get3A_7 = arith.constant 0 : index
    %get3A_8 = vector.load %arg1[%get3A_5, %get3A_6, %get3A_7] : memref<8x4x20000xf32, #tpu.memory_space<vmem>>, vector<8x1x20000xf32>
    %get3A_9 = vector.shape_cast %get3A_8 : vector<8x1x20000xf32> to vector<8x20000xf32>
    %get3A_10 = arith.constant 0 : index
    %get3A_11 = arith.constant 0 : index
    %get3A_12 = arith.constant 0 : index
    %get3A_13 = vector.load %arg2[%get3A_10, %get3A_11, %get3A_12] : memref<8x4x20000xf32, #tpu.memory_space<vmem>>, vector<8x1x20000xf32>
    %get3A_14 = vector.shape_cast %get3A_13 : vector<8x1x20000xf32> to vector<8x20000xf32>
    %sub3A = arith.subf %get3A_9, %get3A_14 : vector<8x20000xf32>
    %abs3A = math.absf %sub3A : vector<8x20000xf32>
    %lt3A = arith.constant 1.000000e+00 : f32
    %lt3A_15 = vector.broadcast %lt3A : f32 to vector<8x20000xf32>
    %lt3A_16 = arith.cmpf olt, %abs3A, %lt3A_15 : vector<8x20000xf32>
    %mul3A = arith.constant 5.000000e-01 : f32
    %mul3A_17 = vector.broadcast %mul3A : f32 to vector<8x20000xf32>
    %mul3A_18 = arith.mulf %mul3A_17, %abs3A : vector<8x20000xf32>
    %mul3A_19 = arith.mulf %mul3A_18, %abs3A : vector<8x20000xf32>
    %sub3A_20 = arith.constant 5.000000e-01 : f32
    %sub3A_21 = vector.broadcast %sub3A_20 : f32 to vector<8x20000xf32>
    %sub3A_22 = arith.subf %abs3A, %sub3A_21 : vector<8x20000xf32>
    %select_n3A = arith.select %lt3A_16, %mul3A_19, %sub3A_22 : vector<8x20000xi1>, vector<8x20000xf32>
    %add3A = arith.addf %broadcast_in_dim3A_4, %select_n3A : vector<8x20000xf32>
    %get3A_23 = arith.constant 0 : index
    %get3A_24 = arith.constant 1 : index
    %get3A_25 = arith.constant 0 : index
    %get3A_26 = vector.load %arg1[%get3A_23, %get3A_24, %get3A_25] : memref<8x4x20000xf32, #tpu.memory_space<vmem>>, vector<8x1x20000xf32>
    %get3A_27 = vector.shape_cast %get3A_26 : vector<8x1x20000xf32> to vector<8x20000xf32>
    %get3A_28 = arith.constant 0 : index
    %get3A_29 = arith.constant 1 : index
    %get3A_30 = arith.constant 0 : index
    %get3A_31 = vector.load %arg2[%get3A_28, %get3A_29, %get3A_30] : memref<8x4x20000xf32, #tpu.memory_space<vmem>>, vector<8x1x20000xf32>
    %get3A_32 = vector.shape_cast %get3A_31 : vector<8x1x20000xf32> to vector<8x20000xf32>
    %sub3A_33 = arith.subf %get3A_27, %get3A_32 : vector<8x20000xf32>
    %abs3A_34 = math.absf %sub3A_33 : vector<8x20000xf32>
    %lt3A_35 = arith.constant 1.000000e+00 : f32
    %lt3A_36 = vector.broadcast %lt3A_35 : f32 to vector<8x20000xf32>
    %lt3A_37 = arith.cmpf olt, %abs3A_34, %lt3A_36 : vector<8x20000xf32>
    %mul3A_38 = arith.constant 5.000000e-01 : f32
    %mul3A_39 = vector.broadcast %mul3A_38 : f32 to vector<8x20000xf32>
    %mul3A_40 = arith.mulf %mul3A_39, %abs3A_34 : vector<8x20000xf32>
    %mul3A_41 = arith.mulf %mul3A_40, %abs3A_34 : vector<8x20000xf32>
    %sub3A_42 = arith.constant 5.000000e-01 : f32
    %sub3A_43 = vector.broadcast %sub3A_42 : f32 to vector<8x20000xf32>
    %sub3A_44 = arith.subf %abs3A_34, %sub3A_43 : vector<8x20000xf32>
    %select_n3A_45 = arith.select %lt3A_37, %mul3A_41, %sub3A_44 : vector<8x20000xi1>, vector<8x20000xf32>
    %add3A_46 = arith.addf %add3A, %select_n3A_45 : vector<8x20000xf32>
    %get3A_47 = arith.constant 0 : index
    %get3A_48 = arith.constant 2 : index
    %get3A_49 = arith.constant 0 : index
    %get3A_50 = vector.load %arg1[%get3A_47, %get3A_48, %get3A_49] : memref<8x4x20000xf32, #tpu.memory_space<vmem>>, vector<8x1x20000xf32>
    %get3A_51 = vector.shape_cast %get3A_50 : vector<8x1x20000xf32> to vector<8x20000xf32>
    %get3A_52 = arith.constant 0 : index
    %get3A_53 = arith.constant 2 : index
    %get3A_54 = arith.constant 0 : index
    %get3A_55 = vector.load %arg2[%get3A_52, %get3A_53, %get3A_54] : memref<8x4x20000xf32, #tpu.memory_space<vmem>>, vector<8x1x20000xf32>
    %get3A_56 = vector.shape_cast %get3A_55 : vector<8x1x20000xf32> to vector<8x20000xf32>
    %sub3A_57 = arith.subf %get3A_51, %get3A_56 : vector<8x20000xf32>
    %abs3A_58 = math.absf %sub3A_57 : vector<8x20000xf32>
    %lt3A_59 = arith.constant 1.000000e+00 : f32
    %lt3A_60 = vector.broadcast %lt3A_59 : f32 to vector<8x20000xf32>
    %lt3A_61 = arith.cmpf olt, %abs3A_58, %lt3A_60 : vector<8x20000xf32>
    %mul3A_62 = arith.constant 5.000000e-01 : f32
    %mul3A_63 = vector.broadcast %mul3A_62 : f32 to vector<8x20000xf32>
    %mul3A_64 = arith.mulf %mul3A_63, %abs3A_58 : vector<8x20000xf32>
    %mul3A_65 = arith.mulf %mul3A_64, %abs3A_58 : vector<8x20000xf32>
    %sub3A_66 = arith.constant 5.000000e-01 : f32
    %sub3A_67 = vector.broadcast %sub3A_66 : f32 to vector<8x20000xf32>
    %sub3A_68 = arith.subf %abs3A_58, %sub3A_67 : vector<8x20000xf32>
    %select_n3A_69 = arith.select %lt3A_61, %mul3A_65, %sub3A_68 : vector<8x20000xi1>, vector<8x20000xf32>
    %add3A_70 = arith.addf %add3A_46, %select_n3A_69 : vector<8x20000xf32>
    %get3A_71 = arith.constant 0 : index
    %get3A_72 = arith.constant 3 : index
    %get3A_73 = arith.constant 0 : index
    %get3A_74 = vector.load %arg1[%get3A_71, %get3A_72, %get3A_73] : memref<8x4x20000xf32, #tpu.memory_space<vmem>>, vector<8x1x20000xf32>
    %get3A_75 = vector.shape_cast %get3A_74 : vector<8x1x20000xf32> to vector<8x20000xf32>
    %get3A_76 = arith.constant 0 : index
    %get3A_77 = arith.constant 3 : index
    %get3A_78 = arith.constant 0 : index
    %get3A_79 = vector.load %arg2[%get3A_76, %get3A_77, %get3A_78] : memref<8x4x20000xf32, #tpu.memory_space<vmem>>, vector<8x1x20000xf32>
    %get3A_80 = vector.shape_cast %get3A_79 : vector<8x1x20000xf32> to vector<8x20000xf32>
    %sub3A_81 = arith.subf %get3A_75, %get3A_80 : vector<8x20000xf32>
    %abs3A_82 = math.absf %sub3A_81 : vector<8x20000xf32>
    %lt3A_83 = arith.constant 1.000000e+00 : f32
    %lt3A_84 = vector.broadcast %lt3A_83 : f32 to vector<8x20000xf32>
    %lt3A_85 = arith.cmpf olt, %abs3A_82, %lt3A_84 : vector<8x20000xf32>
    %mul3A_86 = arith.constant 5.000000e-01 : f32
    %mul3A_87 = vector.broadcast %mul3A_86 : f32 to vector<8x20000xf32>
    %mul3A_88 = arith.mulf %mul3A_87, %abs3A_82 : vector<8x20000xf32>
    %mul3A_89 = arith.mulf %mul3A_88, %abs3A_82 : vector<8x20000xf32>
    %sub3A_90 = arith.constant 5.000000e-01 : f32
    %sub3A_91 = vector.broadcast %sub3A_90 : f32 to vector<8x20000xf32>
    %sub3A_92 = arith.subf %abs3A_82, %sub3A_91 : vector<8x20000xf32>
    %select_n3A_93 = arith.select %lt3A_85, %mul3A_89, %sub3A_92 : vector<8x20000xi1>, vector<8x20000xf32>
    %add3A_94 = arith.addf %add3A_70, %select_n3A_93 : vector<8x20000xf32>
    %jit3A = arith.constant 0.000000e+00 : f32
    %broadcast_in_dim3A_95 = vector.broadcast %jit3A : f32 to vector<8x20000xf32>
    %select_n3A_96 = arith.select %gt3A_3, %add3A_94, %broadcast_in_dim3A_95 : vector<8x20000xi1>, vector<8x20000xf32>
    %reduce_sum3A = arith.constant dense<0.000000e+00> : vector<8xf32>
    %reduce_sum3A_97 = vector.multi_reduction <add>, %select_n3A_96, %reduce_sum3A [1] : vector<8x20000xf32> to vector<8xf32>
    %broadcast_in_dim3A_98 = vector.shape_cast %reduce_sum3A_97 : vector<8xf32> to vector<8x1xf32>
    %iota3A = tpu.iota {dimensions = array<i32: 1>} : vector<8x128xi32>
    %eq3A = arith.constant 0 : i32
    %eq3A_99 = vector.broadcast %eq3A : i32 to vector<8x128xi32>
    %eq3A_100 = arith.cmpi eq, %iota3A, %eq3A_99 : vector<8x128xi32>
    %jit3A_101 = arith.constant 0.000000e+00 : f32
    %broadcast_in_dim3A_102 = vector.shape_cast %broadcast_in_dim3A_98 : vector<8x1xf32> to vector<8x1xf32>
    %broadcast_in_dim3A_103 = vector.broadcast %broadcast_in_dim3A_102 : vector<8x1xf32> to vector<8x128xf32>
    %broadcast_in_dim3A_104 = vector.broadcast %jit3A_101 : f32 to vector<8x128xf32>
    %select_n3A_105 = arith.select %eq3A_100, %broadcast_in_dim3A_103, %broadcast_in_dim3A_104 : vector<8x128xi1>, vector<8x128xf32>
    %swap3A = arith.constant 0 : index
    %swap3A_106 = arith.constant 0 : index
    %swap3A_107 = vector.load %arg4[%swap3A, %swap3A_106] : memref<8x128xf32, #tpu.memory_space<vmem>>, vector<8x128xf32>
    tpu.vector_store %arg4[%swap3A, %swap3A_106], %select_n3A_105 {strides = array<i32>} : memref<8x128xf32, #tpu.memory_space<vmem>>, vector<8x128xf32>,
    return
  }
  func.func @transform_0(%arg0: i32) -> (i32, i32, i32) {
    %c0_i32 = arith.constant 0 : i32
    %c0_i32_0 = arith.constant 0 : i32
    %c0_i32_1 = arith.constant 0 : i32
    return %arg0, %c0_i32, %c0_i32_0 : i32, i32, i32
  }
  func.func @transform_1(%arg0: i32) -> (i32, i32, i32) {
    %c0_i32 = arith.constant 0 : i32
    %c0_i32_0 = arith.constant 0 : i32
    %c0_i32_1 = arith.constant 0 : i32
    return %arg0, %c0_i32, %c0_i32_0 : i32, i32, i32
  }
  func.func @transform_2(%arg0: i32) -> (i32, i32) {
    %c0_i32 = arith.constant 0 : i32
    %c0_i32_0 = arith.constant 0 : i32
    return %arg0, %c0_i32 : i32, i32
  }
  func.func @transform_3(%arg0: i32) -> (i32, i32) {
    %c0_i32 = arith.constant 0 : i32
    %c0_i32_0 = arith.constant 0 : i32
    return %arg0, %c0_i32 : i32, i32
  }
}

module attributes {stable_mosaic.version = 14 : i64} {
  func.func @_cls_body(%arg0: i32, %arg1: i32, %arg2: memref<9x8x20000xf32, #tpu.memory_space<vmem>>, %arg3: memref<8x20000xi32, #tpu.memory_space<vmem>>, %arg4: memref<8x128xf32, #tpu.memory_space<vmem>>, %arg5: memref<8x20000xf32, #tpu.memory_space<vmem>>, %arg6: memref<8x128xf32, #tpu.memory_space<vmem>>) attributes {dimension_semantics = [#tpu.dimension_semantics<parallel>, #tpu.dimension_semantics<arbitrary>], iteration_bounds = array<i64: 4, 9>, scalar_prefetch = 0 : i64, scratch_operands = 2 : i64, tpu.core_type = #tpu.core_type<tc>, window_params = [{transform_indices = @transform_0, window_bounds = array<i64: 9, 8, 20000>}, {transform_indices = @transform_1, window_bounds = array<i64: 8, 20000>}, {transform_indices = @transform_2, window_bounds = array<i64: 8, 128>}]} {
    %eq3A = arith.constant 0 : i32
    %eq3A_0 = arith.cmpi eq, %arg1, %eq3A : i32
    %convert_element_type3A = arith.extui %eq3A_0 : i1 to i32
    %cond3A = arith.constant 0 : i32
    %cond3A_1 = arith.cmpi ne, %convert_element_type3A, %cond3A : i32
    scf.if %cond3A_1 {
      %broadcast_in_dim3A_37 = arith.constant 0.000000e+00 : f32
      %broadcast_in_dim3A_38 = vector.broadcast %broadcast_in_dim3A_37 : f32 to vector<8x20000xf32>
      %swap3A_39 = arith.constant 0 : index
      %swap3A_40 = arith.constant 0 : index
      %swap3A_41 = vector.load %arg5[%swap3A_39, %swap3A_40] : memref<8x20000xf32, #tpu.memory_space<vmem>>, vector<8x20000xf32>
      tpu.vector_store %arg5[%swap3A_39, %swap3A_40], %broadcast_in_dim3A_38 {strides = array<i32>} : memref<8x20000xf32, #tpu.memory_space<vmem>>, vector<8x20000xf32>,
      %broadcast_in_dim3A_42 = arith.constant 0.000000e+00 : f32
      %broadcast_in_dim3A_43 = vector.broadcast %broadcast_in_dim3A_42 : f32 to vector<8x128xf32>
      %swap3A_44 = arith.constant 0 : index
      %swap3A_45 = arith.constant 0 : index
      %swap3A_46 = vector.load %arg6[%swap3A_44, %swap3A_45] : memref<8x128xf32, #tpu.memory_space<vmem>>, vector<8x128xf32>
      tpu.vector_store %arg6[%swap3A_44, %swap3A_45], %broadcast_in_dim3A_43 {strides = array<i32>} : memref<8x128xf32, #tpu.memory_space<vmem>>, vector<8x128xf32>,
    } else {
    }
    %get3A = arith.constant 0 : index
    %get3A_2 = arith.constant 0 : index
    %get3A_3 = arith.constant 0 : index
    %get3A_4 = vector.load %arg2[%get3A, %get3A_2, %get3A_3] : memref<9x8x20000xf32, #tpu.memory_space<vmem>>, vector<9x8x20000xf32>
    %get3A_5 = arith.constant 0 : index
    %get3A_6 = arith.constant 0 : index
    %get3A_7 = vector.load %arg3[%get3A_5, %get3A_6] : memref<8x20000xi32, #tpu.memory_space<vmem>>, vector<8x20000xi32>
    %get3A_8 = arith.constant 0 : index
    %get3A_9 = arith.constant 0 : index
    %get3A_10 = vector.load %arg5[%get3A_8, %get3A_9] : memref<8x20000xf32, #tpu.memory_space<vmem>>, vector<8x20000xf32>
    %exp3A = math.exp %get3A_4 : vector<9x8x20000xf32>
    %reduce_sum3A = arith.constant dense<0.000000e+00> : vector<8x20000xf32>
    %reduce_sum3A_11 = vector.multi_reduction <add>, %exp3A, %reduce_sum3A [0] : vector<9x8x20000xf32> to vector<8x20000xf32>
    %add3A = arith.addf %get3A_10, %reduce_sum3A_11 : vector<8x20000xf32>
    %swap3A = arith.constant 0 : index
    %swap3A_12 = arith.constant 0 : index
    %swap3A_13 = vector.load %arg5[%swap3A, %swap3A_12] : memref<8x20000xf32, #tpu.memory_space<vmem>>, vector<8x20000xf32>
    tpu.vector_store %arg5[%swap3A, %swap3A_12], %add3A {strides = array<i32>} : memref<8x20000xf32, #tpu.memory_space<vmem>>, vector<8x20000xf32>,
    %iota3A = tpu.iota {dimensions = array<i32: 0>} : vector<9x8x20000xi32>
    %mul3A = arith.constant 9 : i32
    %mul3A_14 = arith.muli %arg1, %mul3A : i32
    %add3A_15 = vector.broadcast %mul3A_14 : i32 to vector<9x8x20000xi32>
    %add3A_16 = arith.addi %iota3A, %add3A_15 : vector<9x8x20000xi32>
    %broadcast_in_dim3A = vector.shape_cast %get3A_7 : vector<8x20000xi32> to vector<1x8x20000xi32>
    %eq3A_17 = vector.broadcast %broadcast_in_dim3A : vector<1x8x20000xi32> to vector<9x8x20000xi32>
    %eq3A_18 = arith.cmpi eq, %add3A_16, %eq3A_17 : vector<9x8x20000xi32>
    %jit3A = arith.constant 0.000000e+00 : f32
    %broadcast_in_dim3A_19 = vector.broadcast %jit3A : f32 to vector<9x8x20000xf32>
    %select_n3A = arith.select %eq3A_18, %get3A_4, %broadcast_in_dim3A_19 : vector<9x8x20000xi1>, vector<9x8x20000xf32>
    %get3A_20 = arith.constant 0 : index
    %get3A_21 = arith.constant 0 : index
    %get3A_22 = vector.load %arg6[%get3A_20, %get3A_21] : memref<8x128xf32, #tpu.memory_space<vmem>>, vector<8x1xf32>
    %reduce_sum3A_23 = arith.constant dense<0.000000e+00> : vector<8x20000xf32>
    %reduce_sum3A_24 = vector.multi_reduction <add>, %select_n3A, %reduce_sum3A_23 [0] : vector<9x8x20000xf32> to vector<8x20000xf32>
    %reduce_sum3A_25 = arith.constant dense<0.000000e+00> : vector<8xf32>
    %reduce_sum3A_26 = vector.multi_reduction <add>, %reduce_sum3A_24, %reduce_sum3A_25 [1] : vector<8x20000xf32> to vector<8xf32>
    %broadcast_in_dim3A_27 = vector.shape_cast %reduce_sum3A_26 : vector<8xf32> to vector<8x1xf32>
    %add3A_28 = arith.addf %get3A_22, %broadcast_in_dim3A_27 : vector<8x1xf32>
    %swap3A_29 = arith.constant 0 : index
    %swap3A_30 = arith.constant 0 : index
    %swap3A_31 = vector.load %arg6[%swap3A_29, %swap3A_30] : memref<8x128xf32, #tpu.memory_space<vmem>>, vector<8x1xf32>
    tpu.vector_store %arg6[%swap3A_29, %swap3A_30], %add3A_28 {strides = array<i32>} : memref<8x128xf32, #tpu.memory_space<vmem>>, vector<8x1xf32>,
    %eq3A_32 = arith.constant 8 : i32
    %eq3A_33 = arith.cmpi eq, %arg1, %eq3A_32 : i32
    %convert_element_type3A_34 = arith.extui %eq3A_33 : i1 to i32
    %cond3A_35 = arith.constant 0 : i32
    %cond3A_36 = arith.cmpi ne, %convert_element_type3A_34, %cond3A_35 : i32
    scf.if %cond3A_36 {
      %ge3A = arith.constant 0 : i32
      %ge3A_37 = vector.broadcast %ge3A : i32 to vector<8x20000xi32>
      %ge3A_38 = arith.cmpi sge, %get3A_7, %ge3A_37 : vector<8x20000xi32>
      %get3A_39 = arith.constant 0 : index
      %get3A_40 = arith.constant 0 : index
      %get3A_41 = vector.load %arg5[%get3A_39, %get3A_40] : memref<8x20000xf32, #tpu.memory_space<vmem>>, vector<8x20000xf32>
      %log3A = math.log %get3A_41 : vector<8x20000xf32>
      %jit3A_42 = arith.constant 0.000000e+00 : f32
      %broadcast_in_dim3A_43 = vector.broadcast %jit3A_42 : f32 to vector<8x20000xf32>
      %select_n3A_44 = arith.select %ge3A_38, %log3A, %broadcast_in_dim3A_43 : vector<8x20000xi1>, vector<8x20000xf32>
      %reduce_sum3A_45 = arith.constant dense<0.000000e+00> : vector<8xf32>
      %reduce_sum3A_46 = vector.multi_reduction <add>, %select_n3A_44, %reduce_sum3A_45 [1] : vector<8x20000xf32> to vector<8xf32>
      %broadcast_in_dim3A_47 = vector.shape_cast %reduce_sum3A_46 : vector<8xf32> to vector<8x1xf32>
      %iota3A_48 = tpu.iota {dimensions = array<i32: 1>} : vector<8x128xi32>
      %eq3A_49 = arith.constant 0 : i32
      %eq3A_50 = vector.broadcast %eq3A_49 : i32 to vector<8x128xi32>
      %eq3A_51 = arith.cmpi eq, %iota3A_48, %eq3A_50 : vector<8x128xi32>
      %get3A_52 = arith.constant 0 : index
      %get3A_53 = arith.constant 0 : index
      %get3A_54 = vector.load %arg6[%get3A_52, %get3A_53] : memref<8x128xf32, #tpu.memory_space<vmem>>, vector<8x1xf32>
      %sub3A = arith.subf %broadcast_in_dim3A_47, %get3A_54 : vector<8x1xf32>
      %jit3A_55 = arith.constant 0.000000e+00 : f32
      %broadcast_in_dim3A_56 = vector.shape_cast %sub3A : vector<8x1xf32> to vector<8x1xf32>
      %broadcast_in_dim3A_57 = vector.broadcast %broadcast_in_dim3A_56 : vector<8x1xf32> to vector<8x128xf32>
      %broadcast_in_dim3A_58 = vector.broadcast %jit3A_55 : f32 to vector<8x128xf32>
      %select_n3A_59 = arith.select %eq3A_51, %broadcast_in_dim3A_57, %broadcast_in_dim3A_58 : vector<8x128xi1>, vector<8x128xf32>
      %swap3A_60 = arith.constant 0 : index
      %swap3A_61 = arith.constant 0 : index
      %swap3A_62 = vector.load %arg4[%swap3A_60, %swap3A_61] : memref<8x128xf32, #tpu.memory_space<vmem>>, vector<8x128xf32>
      tpu.vector_store %arg4[%swap3A_60, %swap3A_61], %select_n3A_59 {strides = array<i32>} : memref<8x128xf32, #tpu.memory_space<vmem>>, vector<8x128xf32>,
    } else {
    }
    return
  }
  func.func @transform_0(%arg0: i32, %arg1: i32) -> (i32, i32, i32) {
    %c0_i32 = arith.constant 0 : i32
    %c0_i32_0 = arith.constant 0 : i32
    return %arg1, %arg0, %c0_i32 : i32, i32, i32
  }
  func.func @transform_1(%arg0: i32, %arg1: i32) -> (i32, i32) {
    %c0_i32 = arith.constant 0 : i32
    %c0_i32_0 = arith.constant 0 : i32
    return %arg0, %c0_i32 : i32, i32
  }
  func.func @transform_2(%arg0: i32, %arg1: i32) -> (i32, i32) {
    %c0_i32 = arith.constant 0 : i32
    %c0_i32_0 = arith.constant 0 : i32
    return %arg0, %c0_i32 : i32, i32
  }
}

module attributes {stable_mosaic.version = 14 : i64} {
  func.func @_row_slow_body(%arg0: i32, %arg1: memref<8x2x20000xf32, #tpu.memory_space<vmem>>, %arg2: memref<8x20000xi32, #tpu.memory_space<vmem>>, %arg3: memref<8x20000xi32, #tpu.memory_space<vmem>>, %arg4: memref<8x20000xi32, #tpu.memory_space<vmem>>, %arg5: memref<8x128xf32, #tpu.memory_space<vmem>>) attributes {dimension_semantics = [#tpu.dimension_semantics<arbitrary>], iteration_bounds = array<i64: 4>, scalar_prefetch = 0 : i64, scratch_operands = 0 : i64, tpu.core_type = #tpu.core_type<tc>, window_params = [{transform_indices = @transform_0, window_bounds = array<i64: 8, 2, 20000>}, {transform_indices = @transform_1, window_bounds = array<i64: 8, 20000>}, {transform_indices = @transform_2, window_bounds = array<i64: 8, 20000>}, {transform_indices = @transform_3, window_bounds = array<i64: 8, 20000>}, {transform_indices = @transform_4, window_bounds = array<i64: 8, 128>}]} {
    %get3A = arith.constant 0 : index
    %get3A_0 = arith.constant 0 : index
    %get3A_1 = arith.constant 0 : index
    %get3A_2 = vector.load %arg1[%get3A, %get3A_0, %get3A_1] : memref<8x2x20000xf32, #tpu.memory_space<vmem>>, vector<8x1x20000xf32>
    %get3A_3 = vector.shape_cast %get3A_2 : vector<8x1x20000xf32> to vector<8x20000xf32>
    %get3A_4 = arith.constant 0 : index
    %get3A_5 = arith.constant 1 : index
    %get3A_6 = arith.constant 0 : index
    %get3A_7 = vector.load %arg1[%get3A_4, %get3A_5, %get3A_6] : memref<8x2x20000xf32, #tpu.memory_space<vmem>>, vector<8x1x20000xf32>
    %get3A_8 = vector.shape_cast %get3A_7 : vector<8x1x20000xf32> to vector<8x20000xf32>
    %sub3A = arith.subf %get3A_8, %get3A_3 : vector<8x20000xf32>
    %max3A = arith.constant 0.000000e+00 : f32
    %max3A_9 = vector.broadcast %max3A : f32 to vector<8x20000xf32>
    %max3A_10 = arith.maximumf %sub3A, %max3A_9 : vector<8x20000xf32>
    %abs3A = math.absf %sub3A : vector<8x20000xf32>
    %neg3A = arith.constant 0.000000e+00 : f32
    %neg3A_11 = vector.broadcast %neg3A : f32 to vector<8x20000xf32>
    %neg3A_12 = arith.subf %neg3A_11, %abs3A : vector<8x20000xf32>
    %exp3A = math.exp %neg3A_12 : vector<8x20000xf32>
    %log1p3A = math.log1p %exp3A : vector<8x20000xf32>
    %add3A = arith.addf %max3A_10, %log1p3A : vector<8x20000xf32>
    %get3A_13 = arith.constant 0 : index
    %get3A_14 = arith.constant 0 : index
    %get3A_15 = vector.load %arg2[%get3A_13, %get3A_14] : memref<8x20000xi32, #tpu.memory_space<vmem>>, vector<8x20000xi32>
    %gt3A = arith.constant 0 : i32
    %gt3A_16 = vector.broadcast %gt3A : i32 to vector<8x20000xi32>
    %gt3A_17 = arith.cmpi sgt, %get3A_15, %gt3A_16 : vector<8x20000xi32>
    %convert_element_type3A = arith.extui %gt3A_17 : vector<8x20000xi1> to vector<8x20000xi32>
    %reduce_sum3A = arith.constant dense<0> : vector<8xi32>
    %reduce_sum3A_18 = vector.multi_reduction <add>, %convert_element_type3A, %reduce_sum3A [1] : vector<8x20000xi32> to vector<8xi32>
    %broadcast_in_dim3A = vector.shape_cast %reduce_sum3A_18 : vector<8xi32> to vector<8x1xi32>
    %get3A_19 = arith.constant 0 : index
    %get3A_20 = arith.constant 0 : index
    %get3A_21 = vector.load %arg3[%get3A_19, %get3A_20] : memref<8x20000xi32, #tpu.memory_space<vmem>>, vector<8x20000xi32>
    %gt3A_22 = arith.constant 0 : i32
    %gt3A_23 = vector.broadcast %gt3A_22 : i32 to vector<8x20000xi32>
    %gt3A_24 = arith.cmpi sgt, %get3A_21, %gt3A_23 : vector<8x20000xi32>
    %not3A = arith.constant dense<true> : vector<8x20000xi1>
    %not3A_25 = arith.xori %gt3A_17, %not3A : vector<8x20000xi1>
    %and3A = arith.andi %gt3A_24, %not3A_25 : vector<8x20000xi1>
    %get3A_26 = arith.constant 0 : index
    %get3A_27 = arith.constant 0 : index
    %get3A_28 = vector.load %arg4[%get3A_26, %get3A_27] : memref<8x20000xi32, #tpu.memory_space<vmem>>, vector<8x20000xi32>
    %gt3A_29 = arith.constant 0 : i32
    %gt3A_30 = vector.broadcast %gt3A_29 : i32 to vector<8x20000xi32>
    %gt3A_31 = arith.cmpi sgt, %get3A_28, %gt3A_30 : vector<8x20000xi32>
    %not3A_32 = arith.constant dense<true> : vector<8x20000xi1>
    %not3A_33 = arith.xori %gt3A_17, %not3A_32 : vector<8x20000xi1>
    %and3A_34 = arith.andi %gt3A_31, %not3A_33 : vector<8x20000xi1>
    %bitcast_convert_type3A = tpu.bitcast %add3A : vector<8x20000xf32> -> vector<8x20000xi32>
    %iota3A = tpu.iota {dimensions = array<i32: 1>} : vector<8x20000xi32>
    %mul3A = arith.constant 3 : i32
    %mul3A_35 = vector.broadcast %mul3A : i32 to vector<8x1xi32>
    %mul3A_36 = arith.muli %broadcast_in_dim3A, %mul3A_35 : vector<8x1xi32>
    %convert_element_type3A_37 = arith.extui %and3A : vector<8x20000xi1> to vector<8x20000xi32>
    %reduce_sum3A_38 = arith.constant dense<0> : vector<8xi32>
    %reduce_sum3A_39 = vector.multi_reduction <add>, %convert_element_type3A_37, %reduce_sum3A_38 [1] : vector<8x20000xi32> to vector<8xi32>
    %broadcast_in_dim3A_40 = vector.shape_cast %reduce_sum3A_39 : vector<8xi32> to vector<8x1xi32>
    %min3A = arith.minsi %mul3A_36, %broadcast_in_dim3A_40 : vector<8x1xi32>
    %broadcast_in_dim3A_41 = arith.constant 0 : i32
    %broadcast_in_dim3A_42 = vector.broadcast %broadcast_in_dim3A_41 : i32 to vector<8x1xi32>
    %scan3A = arith.constant 0 : i32
    %scan3A_43 = arith.constant 31 : i32
    %scan3A_44 = arith.addi %scan3A, %scan3A_43 : i32
    %scan3A_45 = arith.constant 1 : i32
    %scan3A_46 = scf.for %scan3A_143 = %scan3A to %scan3A_44 step %scan3A_45 iter_args(%scan3A_144 = %broadcast_in_dim3A_42) -> (vector<8x1xi32>)  : i32 {
      %sub3A_145 = arith.constant 30 : i32
      %sub3A_146 = arith.subi %sub3A_145, %scan3A_143 : i32
      %shift_left3A = arith.constant 1 : i32
      %shift_left3A_147 = arith.shli %shift_left3A, %sub3A_146 : i32
      %or3A_148 = vector.broadcast %shift_left3A_147 : i32 to vector<8x1xi32>
      %or3A_149 = arith.ori %scan3A_144, %or3A_148 : vector<8x1xi32>
      %ge3A = vector.broadcast %or3A_149 : vector<8x1xi32> to vector<8x20000xi32>
      %ge3A_150 = arith.cmpi sge, %bitcast_convert_type3A, %ge3A : vector<8x20000xi32>
      %and3A_151 = arith.andi %ge3A_150, %and3A : vector<8x20000xi1>
      %convert_element_type3A_152 = arith.extui %and3A_151 : vector<8x20000xi1> to vector<8x20000xi32>
      %reduce_sum3A_153 = arith.constant dense<0> : vector<8xi32>
      %reduce_sum3A_154 = vector.multi_reduction <add>, %convert_element_type3A_152, %reduce_sum3A_153 [1] : vector<8x20000xi32> to vector<8xi32>
      %broadcast_in_dim3A_155 = vector.shape_cast %reduce_sum3A_154 : vector<8xi32> to vector<8x1xi32>
      %ge3A_156 = arith.cmpi sge, %broadcast_in_dim3A_155, %min3A : vector<8x1xi32>
      %select_n3A_157 = arith.select %ge3A_156, %or3A_149, %scan3A_144 : vector<8x1xi1>, vector<8x1xi32>
      scf.yield %select_n3A_157 : vector<8x1xi32>
    }
    %scan3A_47 = arith.constant 31 : i32
    %gt3A_48 = vector.broadcast %scan3A_46 : vector<8x1xi32> to vector<8x20000xi32>
    %gt3A_49 = arith.cmpi sgt, %bitcast_convert_type3A, %gt3A_48 : vector<8x20000xi32>
    %and3A_50 = arith.andi %gt3A_49, %and3A : vector<8x20000xi1>
    %convert_element_type3A_51 = arith.extui %and3A_50 : vector<8x20000xi1> to vector<8x20000xi32>
    %reduce_sum3A_52 = arith.constant dense<0> : vector<8xi32>
    %reduce_sum3A_53 = vector.multi_reduction <add>, %convert_element_type3A_51, %reduce_sum3A_52 [1] : vector<8x20000xi32> to vector<8xi32>
    %broadcast_in_dim3A_54 = vector.shape_cast %reduce_sum3A_53 : vector<8xi32> to vector<8x1xi32>
    %sub3A_55 = arith.subi %min3A, %broadcast_in_dim3A_54 : vector<8x1xi32>
    %eq3A = vector.broadcast %scan3A_46 : vector<8x1xi32> to vector<8x20000xi32>
    %eq3A_56 = arith.cmpi eq, %bitcast_convert_type3A, %eq3A : vector<8x20000xi32>
    %and3A_57 = arith.andi %eq3A_56, %and3A : vector<8x20000xi1>
    %broadcast_in_dim3A_58 = arith.constant 0 : i32
    %broadcast_in_dim3A_59 = vector.broadcast %broadcast_in_dim3A_58 : i32 to vector<8x1xi32>
    %scan3A_60 = arith.constant 0 : i32
    %scan3A_61 = arith.constant 15 : i32
    %scan3A_62 = arith.addi %scan3A_60, %scan3A_61 : i32
    %scan3A_63 = arith.constant 1 : i32
    %scan3A_64 = scf.for %scan3A_143 = %scan3A_60 to %scan3A_62 step %scan3A_63 iter_args(%scan3A_144 = %broadcast_in_dim3A_59) -> (vector<8x1xi32>)  : i32 {
      %sub3A_145 = arith.constant 14 : i32
      %sub3A_146 = arith.subi %sub3A_145, %scan3A_143 : i32
      %shift_left3A = arith.constant 1 : i32
      %shift_left3A_147 = arith.shli %shift_left3A, %sub3A_146 : i32
      %or3A_148 = vector.broadcast %shift_left3A_147 : i32 to vector<8x1xi32>
      %or3A_149 = arith.ori %scan3A_144, %or3A_148 : vector<8x1xi32>
      %lt3A = vector.broadcast %or3A_149 : vector<8x1xi32> to vector<8x20000xi32>
      %lt3A_150 = arith.cmpi slt, %iota3A, %lt3A : vector<8x20000xi32>
      %and3A_151 = arith.andi %and3A_57, %lt3A_150 : vector<8x20000xi1>
      %convert_element_type3A_152 = arith.extui %and3A_151 : vector<8x20000xi1> to vector<8x20000xi32>
      %reduce_sum3A_153 = arith.constant dense<0> : vector<8xi32>
      %reduce_sum3A_154 = vector.multi_reduction <add>, %convert_element_type3A_152, %reduce_sum3A_153 [1] : vector<8x20000xi32> to vector<8xi32>
      %broadcast_in_dim3A_155 = vector.shape_cast %reduce_sum3A_154 : vector<8xi32> to vector<8x1xi32>
      %lt3A_156 = arith.cmpi slt, %broadcast_in_dim3A_155, %sub3A_55 : vector<8x1xi32>
      %select_n3A_157 = arith.select %lt3A_156, %or3A_149, %scan3A_144 : vector<8x1xi1>, vector<8x1xi32>
      scf.yield %select_n3A_157 : vector<8x1xi32>
    }
    %scan3A_65 = arith.constant 15 : i32
    %le3A = vector.broadcast %scan3A_64 : vector<8x1xi32> to vector<8x20000xi32>
    %le3A_66 = arith.cmpi sle, %iota3A, %le3A : vector<8x20000xi32>
    %and3A_67 = arith.andi %and3A_57, %le3A_66 : vector<8x20000xi1>
    %gt3A_68 = arith.constant 0 : i32
    %gt3A_69 = vector.broadcast %gt3A_68 : i32 to vector<8x1xi32>
    %gt3A_70 = arith.cmpi sgt, %sub3A_55, %gt3A_69 : vector<8x1xi32>
    %and3A_71 = vector.broadcast %gt3A_70 : vector<8x1xi1> to vector<8x20000xi1>
    %and3A_72 = arith.andi %and3A_67, %and3A_71 : vector<8x20000xi1>
    %or3A = arith.ori %and3A_50, %and3A_72 : vector<8x20000xi1>
    %gt3A_73 = arith.constant 0 : i32
    %gt3A_74 = vector.broadcast %gt3A_73 : i32 to vector<8x1xi32>
    %gt3A_75 = arith.cmpi sgt, %min3A, %gt3A_74 : vector<8x1xi32>
    %and3A_76 = vector.broadcast %gt3A_75 : vector<8x1xi1> to vector<8x20000xi1>
    %and3A_77 = arith.andi %or3A, %and3A_76 : vector<8x20000xi1>
    %mul3A_78 = arith.constant 3 : i32
    %mul3A_79 = vector.broadcast %mul3A_78 : i32 to vector<8x1xi32>
    %mul3A_80 = arith.muli %broadcast_in_dim3A, %mul3A_79 : vector<8x1xi32>
    %convert_element_type3A_81 = arith.extui %and3A_34 : vector<8x20000xi1> to vector<8x20000xi32>
    %reduce_sum3A_82 = arith.constant dense<0> : vector<8xi32>
    %reduce_sum3A_83 = vector.multi_reduction <add>, %convert_element_type3A_81, %reduce_sum3A_82 [1] : vector<8x20000xi32> to vector<8xi32>
    %broadcast_in_dim3A_84 = vector.shape_cast %reduce_sum3A_83 : vector<8xi32> to vector<8x1xi32>
    %min3A_85 = arith.minsi %mul3A_80, %broadcast_in_dim3A_84 : vector<8x1xi32>
    %broadcast_in_dim3A_86 = arith.constant 0 : i32
    %broadcast_in_dim3A_87 = vector.broadcast %broadcast_in_dim3A_86 : i32 to vector<8x1xi32>
    %scan3A_88 = arith.constant 0 : i32
    %scan3A_89 = arith.constant 31 : i32
    %scan3A_90 = arith.addi %scan3A_88, %scan3A_89 : i32
    %scan3A_91 = arith.constant 1 : i32
    %scan3A_92 = scf.for %scan3A_143 = %scan3A_88 to %scan3A_90 step %scan3A_91 iter_args(%scan3A_144 = %broadcast_in_dim3A_87) -> (vector<8x1xi32>)  : i32 {
      %sub3A_145 = arith.constant 30 : i32
      %sub3A_146 = arith.subi %sub3A_145, %scan3A_143 : i32
      %shift_left3A = arith.constant 1 : i32
      %shift_left3A_147 = arith.shli %shift_left3A, %sub3A_146 : i32
      %or3A_148 = vector.broadcast %shift_left3A_147 : i32 to vector<8x1xi32>
      %or3A_149 = arith.ori %scan3A_144, %or3A_148 : vector<8x1xi32>
      %ge3A = vector.broadcast %or3A_149 : vector<8x1xi32> to vector<8x20000xi32>
      %ge3A_150 = arith.cmpi sge, %bitcast_convert_type3A, %ge3A : vector<8x20000xi32>
      %and3A_151 = arith.andi %ge3A_150, %and3A_34 : vector<8x20000xi1>
      %convert_element_type3A_152 = arith.extui %and3A_151 : vector<8x20000xi1> to vector<8x20000xi32>
      %reduce_sum3A_153 = arith.constant dense<0> : vector<8xi32>
      %reduce_sum3A_154 = vector.multi_reduction <add>, %convert_element_type3A_152, %reduce_sum3A_153 [1] : vector<8x20000xi32> to vector<8xi32>
      %broadcast_in_dim3A_155 = vector.shape_cast %reduce_sum3A_154 : vector<8xi32> to vector<8x1xi32>
      %ge3A_156 = arith.cmpi sge, %broadcast_in_dim3A_155, %min3A_85 : vector<8x1xi32>
      %select_n3A_157 = arith.select %ge3A_156, %or3A_149, %scan3A_144 : vector<8x1xi1>, vector<8x1xi32>
      scf.yield %select_n3A_157 : vector<8x1xi32>
    }
    %scan3A_93 = arith.constant 31 : i32
    %gt3A_94 = vector.broadcast %scan3A_92 : vector<8x1xi32> to vector<8x20000xi32>
    %gt3A_95 = arith.cmpi sgt, %bitcast_convert_type3A, %gt3A_94 : vector<8x20000xi32>
    %and3A_96 = arith.andi %gt3A_95, %and3A_34 : vector<8x20000xi1>
    %convert_element_type3A_97 = arith.extui %and3A_96 : vector<8x20000xi1> to vector<8x20000xi32>
    %reduce_sum3A_98 = arith.constant dense<0> : vector<8xi32>
    %reduce_sum3A_99 = vector.multi_reduction <add>, %convert_element_type3A_97, %reduce_sum3A_98 [1] : vector<8x20000xi32> to vector<8xi32>
    %broadcast_in_dim3A_100 = vector.shape_cast %reduce_sum3A_99 : vector<8xi32> to vector<8x1xi32>
    %sub3A_101 = arith.subi %min3A_85, %broadcast_in_dim3A_100 : vector<8x1xi32>
    %eq3A_102 = vector.broadcast %scan3A_92 : vector<8x1xi32> to vector<8x20000xi32>
    %eq3A_103 = arith.cmpi eq, %bitcast_convert_type3A, %eq3A_102 : vector<8x20000xi32>
    %and3A_104 = arith.andi %eq3A_103, %and3A_34 : vector<8x20000xi1>
    %broadcast_in_dim3A_105 = arith.constant 0 : i32
    %broadcast_in_dim3A_106 = vector.broadcast %broadcast_in_dim3A_105 : i32 to vector<8x1xi32>
    %scan3A_107 = arith.constant 0 : i32
    %scan3A_108 = arith.constant 15 : i32
    %scan3A_109 = arith.addi %scan3A_107, %scan3A_108 : i32
    %scan3A_110 = arith.constant 1 : i32
    %scan3A_111 = scf.for %scan3A_143 = %scan3A_107 to %scan3A_109 step %scan3A_110 iter_args(%scan3A_144 = %broadcast_in_dim3A_106) -> (vector<8x1xi32>)  : i32 {
      %sub3A_145 = arith.constant 14 : i32
      %sub3A_146 = arith.subi %sub3A_145, %scan3A_143 : i32
      %shift_left3A = arith.constant 1 : i32
      %shift_left3A_147 = arith.shli %shift_left3A, %sub3A_146 : i32
      %or3A_148 = vector.broadcast %shift_left3A_147 : i32 to vector<8x1xi32>
      %or3A_149 = arith.ori %scan3A_144, %or3A_148 : vector<8x1xi32>
      %lt3A = vector.broadcast %or3A_149 : vector<8x1xi32> to vector<8x20000xi32>
      %lt3A_150 = arith.cmpi slt, %iota3A, %lt3A : vector<8x20000xi32>
      %and3A_151 = arith.andi %and3A_104, %lt3A_150 : vector<8x20000xi1>
      %convert_element_type3A_152 = arith.extui %and3A_151 : vector<8x20000xi1> to vector<8x20000xi32>
      %reduce_sum3A_153 = arith.constant dense<0> : vector<8xi32>
      %reduce_sum3A_154 = vector.multi_reduction <add>, %convert_element_type3A_152, %reduce_sum3A_153 [1] : vector<8x20000xi32> to vector<8xi32>
      %broadcast_in_dim3A_155 = vector.shape_cast %reduce_sum3A_154 : vector<8xi32> to vector<8x1xi32>
      %lt3A_156 = arith.cmpi slt, %broadcast_in_dim3A_155, %sub3A_101 : vector<8x1xi32>
      %select_n3A_157 = arith.select %lt3A_156, %or3A_149, %scan3A_144 : vector<8x1xi1>, vector<8x1xi32>
      scf.yield %select_n3A_157 : vector<8x1xi32>
    }
    %scan3A_112 = arith.constant 15 : i32
    %le3A_113 = vector.broadcast %scan3A_111 : vector<8x1xi32> to vector<8x20000xi32>
    %le3A_114 = arith.cmpi sle, %iota3A, %le3A_113 : vector<8x20000xi32>
    %and3A_115 = arith.andi %and3A_104, %le3A_114 : vector<8x20000xi1>
    %gt3A_116 = arith.constant 0 : i32
    %gt3A_117 = vector.broadcast %gt3A_116 : i32 to vector<8x1xi32>
    %gt3A_118 = arith.cmpi sgt, %sub3A_101, %gt3A_117 : vector<8x1xi32>
    %and3A_119 = vector.broadcast %gt3A_118 : vector<8x1xi1> to vector<8x20000xi1>
    %and3A_120 = arith.andi %and3A_115, %and3A_119 : vector<8x20000xi1>
    %or3A_121 = arith.ori %and3A_96, %and3A_120 : vector<8x20000xi1>
    %gt3A_122 = arith.constant 0 : i32
    %gt3A_123 = vector.broadcast %gt3A_122 : i32 to vector<8x1xi32>
    %gt3A_124 = arith.cmpi sgt, %min3A_85, %gt3A_123 : vector<8x1xi32>
    %and3A_125 = vector.broadcast %gt3A_124 : vector<8x1xi1> to vector<8x20000xi1>
    %and3A_126 = arith.andi %or3A_121, %and3A_125 : vector<8x20000xi1>
    %or3A_127 = arith.ori %and3A_77, %and3A_126 : vector<8x20000xi1>
    %jit3A = arith.constant 0.000000e+00 : f32
    %broadcast_in_dim3A_128 = vector.broadcast %jit3A : f32 to vector<8x20000xf32>
    %select_n3A = arith.select %or3A_127, %add3A, %broadcast_in_dim3A_128 : vector<8x20000xi1>, vector<8x20000xf32>
    %reduce_sum3A_129 = arith.constant dense<0.000000e+00> : vector<8xf32>
    %reduce_sum3A_130 = vector.multi_reduction <add>, %select_n3A, %reduce_sum3A_129 [1] : vector<8x20000xf32> to vector<8xf32>
    %broadcast_in_dim3A_131 = vector.shape_cast %reduce_sum3A_130 : vector<8xf32> to vector<8x1xf32>
    %iota3A_132 = tpu.iota {dimensions = array<i32: 1>} : vector<8x128xi32>
    %eq3A_133 = arith.constant 0 : i32
    %eq3A_134 = vector.broadcast %eq3A_133 : i32 to vector<8x128xi32>
    %eq3A_135 = arith.cmpi eq, %iota3A_132, %eq3A_134 : vector<8x128xi32>
    %jit3A_136 = arith.constant 0.000000e+00 : f32
    %broadcast_in_dim3A_137 = vector.shape_cast %broadcast_in_dim3A_131 : vector<8x1xf32> to vector<8x1xf32>
    %broadcast_in_dim3A_138 = vector.broadcast %broadcast_in_dim3A_137 : vector<8x1xf32> to vector<8x128xf32>
    %broadcast_in_dim3A_139 = vector.broadcast %jit3A_136 : f32 to vector<8x128xf32>
    %select_n3A_140 = arith.select %eq3A_135, %broadcast_in_dim3A_138, %broadcast_in_dim3A_139 : vector<8x128xi1>, vector<8x128xf32>
    %swap3A = arith.constant 0 : index
    %swap3A_141 = arith.constant 0 : index
    %swap3A_142 = vector.load %arg5[%swap3A, %swap3A_141] : memref<8x128xf32, #tpu.memory_space<vmem>>, vector<8x128xf32>
    tpu.vector_store %arg5[%swap3A, %swap3A_141], %select_n3A_140 {strides = array<i32>} : memref<8x128xf32, #tpu.memory_space<vmem>>, vector<8x128xf32>,
    return
  }
  func.func @transform_0(%arg0: i32) -> (i32, i32, i32) {
    %c0_i32 = arith.constant 0 : i32
    %c0_i32_0 = arith.constant 0 : i32
    %c0_i32_1 = arith.constant 0 : i32
    return %arg0, %c0_i32, %c0_i32_0 : i32, i32, i32
  }
  func.func @transform_1(%arg0: i32) -> (i32, i32) {
    %c0_i32 = arith.constant 0 : i32
    %c0_i32_0 = arith.constant 0 : i32
    return %arg0, %c0_i32 : i32, i32
  }
  func.func @transform_2(%arg0: i32) -> (i32, i32) {
    %c0_i32 = arith.constant 0 : i32
    %c0_i32_0 = arith.constant 0 : i32
    return %arg0, %c0_i32 : i32, i32
  }
  func.func @transform_3(%arg0: i32) -> (i32, i32) {
    %c0_i32 = arith.constant 0 : i32
    %c0_i32_0 = arith.constant 0 : i32
    return %arg0, %c0_i32 : i32, i32
  }
  func.func @transform_4(%arg0: i32) -> (i32, i32) {
    %c0_i32 = arith.constant 0 : i32
    %c0_i32_0 = arith.constant 0 : i32
    return %arg0, %c0_i32 : i32, i32
  }
}

</mosaic_0001>

<sc_bundles>
// kernel: kernel.6.cloned.1.call-start
scs
__scs_entry_jumppad:
0x0: {  	(pc) =	sbr.rel $0x88, $3  }
0x1: {  	(tag) =	ssettag $0x0;
	lr =	simm.s32 $0x1  }
0x2: {  	[smem:$0x3F99] =	sst lr;
	_ =	strace $0xD0000000  }
0x3: {  	_ = 	snop  }
0x4: {  	_ = 	snop  }
0x5: {  	_ = 	snop  }
0x6: {  	_ = 	snop  }
0x7: {  	_ = 	snop  }
__scs_overlays_trampoline_lowered:
0x8: {  	[smem:$0x3FA8] =	sst s0  }
0x9: {  	[smem:$0x3FA9] =	sst s1  }
0xa: {  	[smem:$0x3FAA] =	sst s2  }
0xb: {  	[smem:$0x3FAB] =	sst s3  }
0xc: {  	[smem:$0x3FAC] =	sst s4  }
0xd: {  	[smem:$0x3FAD] =	sst s5  }
0xe: {  	[smem:$0x3FAE] =	sst s6  }
0xf: {  	[smem:$0x3FAF] =	sst s7  }
0x10: {  	[smem:$0x3FB0] =	sst s8  }
0x11: {  	[smem:$0x3FB1] =	sst s9;
	s0 =	simm.s32 @!p0 $0x0  }
0x12: {  	s1 =	sld [smem:$0x3F97];
	s0 =	simm.s32 @p0 $0x1  }
0x13: {  	[smem:$0x3FB2] =	sst s0;
	s0 =	simm.s32 @!p1 $0x0  }
0x14: {  	s2 =	sld [smem:$0x3F96];
	s0 =	simm.s32 @p1 $0x1  }
0x15: {  	[smem:$0x3FB3] =	sst s0;
	s0 =	simm.s32 @!p2 $0x0  }
0x16: {  	s3 =	sld [smem:$0x3FDB];
	s0 =	simm.s32 @p2 $0x1  }
0x17: {  	s4 =	simm.s32 $0x1BF5;
	[smem:$0x3FB5] =	sst s0  }
0x18: {  	s0 =	sld [smem:$0x3F98];
	_ =	swait.ge [sflag:s4], $0x0  }
0x19: {  	s7 =	sld [smem:$0x3F99]  }
0x1a: {  	s8 =	sadd.s32 $0xFFFFE003, lr  }
0x1b: {  	s9 =	sadd.s32 $0xFFFFFEF7, lr;
	s5 =	simm.s32 $0xFFFFFFFF;
	p2 =	slt.u32 s8, $0xFFFFF086  }
0x1c: {  	p1 =	slt.u32 s9, $0xF7A;
	s5 =	simm.s32 @!p2 $0x0  }
0x1d: {  	s5 =	simm.s32 @p1 $0x1;
	p0 =	seq.s32 s7, s2  }
0x1e: {  	s7 =	smul.u32 @!p0 $0xF7A, s2;
	p2 =	seq.s32 @!p0 s5, $0x0  }
0x1f: {  	s9 =	smul.u32 $0xF7A, s1;
	s8 =	simm.s32 @!p0 $0x1BF5;
	p2 =	por !p2, p0  }
0x20: {  	[sflag:s8] =	ssyncset.s32 @!p0 $0xFFFFF086;
	s6 =	sadd.s32 @!p0 s3, s7;
	s7 =	simm.s32 @!p0 $0x108  }
0x21: {  	s3 =	sadd.s32 s3, s9;
	s6 =	sadd.s32 @!p0 $0x88, s6;
	s7 =	simm.s32 @p2 $0x1082  }
0x22: {  	[simem:s7], [sflag:s8] =	dma.local @!p0 [hbm:s6], $0xF7A  }
0x23: {  	s9 =	sor.u32 $0xD0000000, s2;
	s6 =	simm.s32 $0x108;
	_ =	swait.ge @!p0 [sflag:s8], $0x0  }
0x24: {  	s3 =	sadd.s32 $0x88, s3;
	s6 =	simm.s32 @!p1 $0x1082;
	[sflag:s4] =	ssyncset.s32 $0xFFFFF086  }
0x25: {  	[simem:s6], [sflag:s4] =	dma.local [hbm:s3], $0xF7A  }
0x26: {  	[smem:$0x3F99] =	sst s1;
	(tag) =	ssettag s2;
	_ =	strace s9  }
0x27: {  	s1 =	sld [smem:$0x3FA9]  }
0x28: {  	s2 =	sld [smem:$0x3FAA]  }
0x29: {  	s4 =	sld [smem:$0x3FAC]  }
0x2a: {  	p0 =	seq.s32 s5, $0x0;
	s5 =	sld [smem:$0x3FAD]  }
0x2b: {  	s6 =	sld [smem:$0x3FAE]  }
0x2c: {  	s7 =	sld [smem:$0x3FAF]  }
0x2d: {  	s3 =	simm.s32 $0x108;
	s8 =	sld [smem:$0x3FB0]  }
0x2e: {  	s3 =	simm.s32 @!p0 $0x1082;
	s9 =	sld [smem:$0x3FB1]  }
0x2f: {  	lr =	sadd.s32 s0, s3;
	s0 =	sld [smem:$0x3FA8]  }
0x30: {  	s3 =	sld [smem:$0x3FAB]  }
0x31: {  	[smem:$0x3FB4] =	sst s10  }
0x32: {  	s10 =	sld [smem:$0x3FB2];
	_ =	sdelay $0x3  }
0x33: {  	p0 =	seq.s32 s10, $0x1;
	s10 =	sld [smem:$0x3FB4];
	_ =	sdelay $0x3  }
0x34: {  	[smem:$0x3FB4] =	sst s10  }
0x35: {  	s10 =	sld [smem:$0x3FB3];
	_ =	sdelay $0x3  }
0x36: {  	p1 =	seq.s32 s10, $0x1;
	s10 =	sld [smem:$0x3FB4];
	_ =	sdelay $0x3  }
0x37: {  	[smem:$0x3FB4] =	sst s10  }
0x38: {  	s10 =	sld [smem:$0x3FB5]  }
0x39: {  	_ = 	snop;
	(pc) =	sbr.ind lr, $3  }
0x3a: {  	_ = 	snop  }
0x3b: {  	_ = 	snop  }
0x3c: {  	p2 =	seq.s32 s10, $0x1;
	s10 =	sld [smem:$0x3FB4]  }
0x3d: {  	_ =	shalt  }
0x3e: {  	_ =	shalt  }
0x3f: {  	_ =	shalt  }
0x40: {  	_ =	shalt  }
0x41: {  	_ =	shalt  }
0x42: {  	_ =	shalt  }
0x43: {  	_ =	shalt  }
0x44: {  	_ =	shalt  }
0x45: {  	_ =	shalt  }
0x46: {  	_ =	shalt  }
0x47: {  	_ =	shalt  }
0x48: {  	_ =	shalt  }
0x49: {  	_ =	shalt  }
0x4a: {  	_ =	shalt  }
0x4b: {  	_ =	shalt  }
0x4c: {  	_ =	shalt  }
0x4d: {  	_ =	shalt  }
0x4e: {  	_ =	shalt  }
0x4f: {  	_ =	shalt  }
0x50: {  	_ =	shalt  }
0x51: {  	_ =	shalt  }
0x52: {  	_ =	shalt  }
0x53: {  	_ =	shalt  }
0x54: {  	_ =	shalt  }
0x55: {  	_ =	shalt  }
0x56: {  	_ =	shalt  }
0x57: {  	_ =	shalt  }
0x58: {  	_ =	shalt  }
0x59: {  	_ =	shalt  }
0x5a: {  	_ =	shalt  }
0x5b: {  	_ =	shalt  }
0x5c: {  	_ =	shalt  }
0x5d: {  	_ =	shalt  }
0x5e: {  	_ =	shalt  }
0x5f: {  	_ =	shalt  }
0x60: {  	_ =	shalt  }
0x61: {  	_ =	shalt  }
0x62: {  	_ =	shalt  }
0x63: {  	_ =	shalt  }
0x64: {  	_ =	shalt  }
0x65: {  	_ =	shalt  }
0x66: {  	_ =	shalt  }
0x67: {  	_ =	shalt  }
0x68: {  	_ =	shalt  }
0x69: {  	_ =	shalt  }
0x6a: {  	_ =	shalt  }
0x6b: {  	_ =	shalt  }
0x6c: {  	_ =	shalt  }
0x6d: {  	_ =	shalt  }
0x6e: {  	_ =	shalt  }
0x6f: {  	_ =	shalt  }
0x70: {  	_ =	shalt  }
0x71: {  	_ =	shalt  }
0x72: {  	_ =	shalt  }
0x73: {  	_ =	shalt  }
0x74: {  	_ =	shalt  }
0x75: {  	_ =	shalt  }
0x76: {  	_ =	shalt  }
0x77: {  	_ =	shalt  }
0x78: {  	_ =	shalt  }
0x79: {  	_ =	shalt  }
0x7a: {  	_ =	shalt  }
0x7b: {  	_ =	shalt  }
0x7c: {  	_ =	shalt  }
0x7d: {  	_ =	shalt  }
0x7e: {  	_ =	shalt  }
0x7f: {  	_ =	shalt  }
0x80: {  	_ =	shalt  }
0x81: {  	_ =	shalt  }
0x82: {  	_ =	shalt  }
0x83: {  	_ =	shalt  }
0x84: {  	_ =	shalt  }
0x85: {  	_ =	shalt  }
0x86: {  	_ =	shalt  }
0x87: {  	_ =	shalt  }
.Lfunc_end0:
.L_simem_size_0:
called_computation_lowered:
.L_overlay_start_0:
0x88: {  	s2 =	sld [smem:$0x3FD9]  }
0x89: {  	s3 =	sld [smem:$0x3FFE];
	_ =	sdelay $0x1  }
0x8a: {  	s1 =	srdreg.scid  }
0x8b: {  	s0 =	sand.u32 $0x1, s1  }
0x8c: {  	s16 =	sshll.u32 s0, $0xA;
	s2 =	sadd.s32 s3, s2  }
0x8d: {  	s2 =	sadd.s32 s2, s16  }
0x8e: {  	[smem:$0x3FC0] =	sst s2  }
0x8f: {  	_ = 	snop  }
0x90: {  	(tm) =	ssettm $0x1  }
0x91: {  	s17 =	sld [smem:$0x3FFB];
	_ =	sdelay $0x3  }
0x92: {  	_ =	strace s17  }
0x93: {  	s2 =	sld [smem:$0x3FFC];
	_ =	sdelay $0x3  }
0x94: {  	_ =	strace s2  }
0x95: {  	s2 =	sld [smem:$0x3FFD];
	_ =	sdelay $0x3  }
0x96: {  	_ =	strace s2  }
0x97: {  	_ =	strace $0x8FFFFFFF  }
0x98: {  	s18 =	sld [smem:$0x3FDB];
	_ =	sdelay $0x1  }
0x99: {  	s19 =	simm.s32 $_scs_section_size  }
0x9a: {  	s4 =	simm.s32 $_size__tile_overlayer_lowered;
	s5 =	simm.s32 $_tile_overlayer_lowered  }
0x9b: {  	s22 =	simm.s32 $0x1BFF;
	s21 =	sshll.u32 s5, $0x1;
	s2 =	sadd.s32 s19, s18  }
0x9c: {  	s6 =	simm.s32 $0x0;
	s20 =	sshll.u32 s4, $0x1;
	s4 =	sadd.s32 s21, s2  }
0x9d: {  	[timem:s6], [sflag:s22] =	dma.local [hbm:s4], s20  }
0x9e: {  	_ =	swait.ge [sflag:s22], s20  }
0x9f: {  	s3 =	ssub.s32 $0x0, s20;
	[sflag:s22] =	ssyncset.done $0x0  }
0xa0: {  	[sflag:s22] =	ssyncadd.s32 s3;
	_ =	sdelay $0x1  }
0xa1: {  	s23 =	simm.s32 $0x1B8B  }
0xa2: {  	_ =	swait.ge [sflag:s23], $0x1  }
0xa3: {  	[sflag:s23] =	ssyncset.done $0x0  }
0xa4: {  	s25 =	simm.s32 $0x1B8E;
	s24 =	sld [smem:$0x3FFE];
	[sflag:s23] =	ssyncadd.s32 $0xFFFFFFFF  }
0xa5: {  	s26 =	simm.s32 $execute0_lowered;
	[smem:$0x3FD2] =	sst s25  }
0xa6: {  	s4 =	sshll.u32 s26, $0x1;
	_ =	strace $0x80000046;
	[dreg:$0x1] =	wrdreg $0xFFFFFFFF  }
0xa7: {  	s28 =	simm.s32 $_size_execute0_lowered;
	s2 =	sadd.s32 s2, s4;
	[dreg:$0x0] =	wrdreg $0x0  }
0xa8: {  	s4 =	sshll.u32 s28, $0x1;
	[dreg:$0x2] =	wrdreg s2  }
0xa9: {  	[dreg:$0x3] =	wrdreg s4  }
0xaa: {  	[dreg:$0x4] =	wrdreg $0xC0  }
0xab: {  	_ =	task [dreg:s6], $0x5FFFF  }
0xac: {  	[dreg:$0x1] =	wrdreg $0xFFFFFFFF  }
0xad: {  	[dreg:$0x0] =	wrdreg $0x60  }
0xae: {  	[dreg:$0x2] =	wrdreg s24  }
0xaf: {  	[dreg:$0x3] =	wrdreg $0x9  }
0xb0: {  	_ =	task.clear_ibuf [dreg:s6], $0x4FFFF;
	_ =	strace $0x90000046  }
0xb1: {  	s29 =	simm.s32 $0x9;
	_ =	strace $0x80000048  }
0xb2: {  	_ =	swait.ge [sflag:s29], $0x1  }
0xb3: {  	[sflag:s29] =	ssyncadd.s32 $0xFFFFFFFF  }
0xb4: {  	_ =	strace $0x90000048  }
0xb5: {  	_ =	sfence  }
0xb6: {  	s30 =	sld [smem:$0x0];
	_ =	sdelay $0x2  }
0xb7: {  	s31 =	sshll.u32 s1, $0xD;
	s1 =	sshrl.u32 s1, $0x2  }
0xb8: {  	s3 =	sand.u32 $0x4000, s31;
	s1 =	sadd.s32 s1, s30  }
0xb9: {  	s0 =	sor.u32 s3, s0;
	s1 =	sshll.u32 s1, $0x11  }
0xba: {  	s0 =	sor.u32 s1, s0  }
0xbb: {  	s0 =	sadd.s32 $0x8F2B, s0  }
0xbc: {  	[sflag:s0] =	ssyncadd.remote.s32 $0x1  }
0xbd: {  	_ =	sfence.sel $0xFFFF  }
0xbe: {  	[dreg:$0x0] =	wrdreg $0xFFFFFFFF;
	(pc) =	sbr.abs _section_cstart, $3  }
0xbf: {  	[dreg:$0x1] =	wrdreg $0xFFFFFFFF  }
0xc0: {  	_ =	task.clear_ibuf [dreg:s6], $0x2FFFF;
	_ =	strace $0x9FFFFFFF  }
0xc1: {  	(tm) =	ssettm $0x7FFFFFFF  }
tec
execute0_lowered:
.L_overlay_start_1:
0x0: {  	(tag) =	ssettag $0x1  }
0x1: {  	s3 =	rddreg [dreg:$0x0]  }
0x2: {  	s0 =	rddreg [dreg:$0x1]  }
0x3: {  	s2 =	simm.s32 $0x0;
	s4 =	srdreg.scid;
	s1 =	stileid.u32  }
0x4: {  	s9 =	simm.s32 $0x4E80;
	s10 =	simm.s32 $0x0;
	s4 =	sand.u32 $0x1, s4  }
0x5: {  	s5 =	sshrl.u32 s1, $0x2;
	s6 =	sshll.u32 s1, $0x8;
	[smem:$0x7FF] =	sst s2  }
0x6: {  	s7 =	sshll.u32 s4, $0x7;
	s6 =	sand.u32 $0x300, s6;
	s8 =	smul.u32 $0x27400, s5  }
0x7: {  	s5 =	sshll.u32 s5, $0xA;
	s4 =	ssub.s32 $0x2, s4;
	s6 =	sor.u32 s7, s6  }
0x8: {  	_ =	strace $0x80000047;
	s30 =	sshrl.u32 s4, $0x1;
	s7 =	sor.u32 s8, s6  }
0x9: {  	s5 =	sor.u32 s5, s6;
	s31 =	ssub.s32 s4, s30;
	s29 =	sshrl.u32 s7, $0x3  }
0xa: {  	s8 =	simm.s32 $0x1;
	s5 =	sshrl.u32 s5, $0x3;
	s6 =	sadd.s32 s29, s3  }
0xb: {  	s7 =	simm.s32 $0x400;
	s5 =	sadd.s32 s5, s3;
	s3 =	sadd.s32 $0x600, s6  }
0xc: {  	s4 =	sadd.s32 $0x14000, s5;
	s5 =	smax.u32 s31, $0x1;
	s6 =	simm.s32 $0x80  }
.LBB2_1:
0xd: {  	[tilespmem:s2], [sflag:$0x1] =	stream.strided.gather [hbm4b:s3+s6], $0x4E80, s7, s6, $0x38;
	[tilespmem:$0x4F00] =	vst v63  }
0xe: {  	_ =	swait.ge [sflag:s8], $0x4E80  }
0xf: {  	[sflag:s8] =	ssyncset.done $0x0  }
0x10: {  	s12 =	simm.s32 $0x0;
	[sflag:s8] =	ssyncadd.s32 $0xFFFFB180  }
0x11: {  	v0 =	vimm.f32 $0.0e+00;
	s11 =	simm.s32 $0x40;
	v1 =	vld [tilespmem:s12+$0x0]  }
.LBB2_2:
0x12: {  	p0 =	sne.s32 s11, $0x139C0  }
.Ltmp0:
0x13: {  	_ = 	snop;
	(pc) =	sbr.rel @p0 .LBB2_2-.Ltmp0, $3  }
0x14: {  	_ =	sdelay $0x1  }
0x15: {  	s12 =	sshra.s32 s11, $0x2;
	s11 =	sadd.s32 $0x40, s11;
	v0 =	vadd.f32 v1, v0  }
0x16: {  	v1 =	vld [tilespmem:s12+$0x0]  }
0x17: {  	_ =	sdelay $0x3  }
0x18: {  	s10 =	sadd.s32 $0x1, s10;
	v0 =	vadd.f32 v1, v0  }
0x19: {  	p0 =	sne.s32 s10, s5  }
.Ltmp1:
0x1a: {  	[tilespmem:$0x4E80] =	vst v0;
	(pc) =	sbr.rel @p0 .LBB2_1-.Ltmp1, $4  }
0x1b: {  	[hbm4b:s4+s2] =	stream.linear.scatter [tilespmem:s9], [sflag:$0x1], $0x80, $0x38;
	[tilespmem:$0x4F00] =	vst v63  }
0x1c: {  	_ =	swait.ge [sflag:s8], $0x80  }
0x1d: {  	[sflag:s8] =	ssyncset.done $0x0  }
0x1e: {  	[sflag:s8] =	ssyncadd.s32 $0xFFFFFF80  }
0x1f: {  	_ =	sfence.sel $0x180000  }
0x20: {  	[bflag:$0x0] =	sbarrier.arrive $0xFFFF  }
0x21: {  	p0 =	sne.s32 s1, $0x0;
	_ =	strace $0x90000047  }
0x22: {  	s0 =	sadd.s32 @!p0 $0x100000, s0;
	[bflag:$0x2] =	sbarrier.arrive $0xFFFF  }
0x23: {  	[sflag:s0] =	ssyncadd.tile.s32 @!p0 $0x1;
	_ =	shalt  }
.Lfunc_end2:
_tile_overlayer_lowered:
.L_overlay_start_2:
0x24: {  	(tag) =	ssettag $0x2  }
0x25: {  	s0 =	rddreg [dreg:$0x0];
	s2 =	stileid.u32  }
0x26: {  	s1 =	rddreg [dreg:$0x1];
	p0 =	sne.s32 s2, $0x0  }
0x27: {  	s3 =	rddreg [dreg:$0x2];
	[bflag:$0x3] =	sbarrier.arrive $0xFFFF;
	s2 =	simm.s32 @!p0 $0x1C01  }
0x28: {  	[timem:s3], [sflag:s2] =	dma.local @!p0 [hbm:s0], s1  }
0x29: {  	s0 =	simm.s32 @!p0 $0x1  }
0x2a: {  	_ =	swait.ge @!p0 [sflag:s0], s1  }
0x2b: {  	s1 =	ssub.s32 @!p0 $0x0, s1;
	[sflag:s0] =	ssyncset.done @!p0 $0x0  }
0x2c: {  	[sflag:s0] =	ssyncadd.s32 @!p0 s1  }
0x2d: {  	[bflag:$0x3] =	sbarrier.arrive $0xFFFF  }
0x2e: {  	_ =	shalt  }

</sc_bundles>
